<compile_context>
chip_gen: v7x
topology: tpu7x:2x2x1
jax: 0.10.2.dev20260603
libtpu: 0.0.44.dev20260713+nightly
codegen_flags: <defaults>
</compile_context>

<pallas_src>
import functools

import jax
import jax.numpy as jnp
from jax import lax
from jax.experimental import pallas as pl
from jax.experimental.pallas import tpu as pltpu
from jax.experimental.pallas import tpu_sc as plsc

D = 64
EPS = 1e-5
NC = 2
NS = 16
NW = NC * NS
G = 128
NBUF = 8


def _rsqrt(x):
    i = lax.bitcast_convert_type(x, jnp.int32)
    i = jnp.int32(0x5F3759DF) - lax.shift_right_arithmetic(i, jnp.int32(1))
    y = lax.bitcast_convert_type(i, jnp.float32)
    half = x * jnp.float32(0.5)
    for _ in range(3):
        y = y * (jnp.float32(1.5) - half * y * y)
    return y


def kernel(x, table, gamma, beta):
    Bt, L = x.shape
    B = Bt * L
    rows_per_w = B // NW
    N = rows_per_w // G
    x2d = x.reshape(B // G, G)
    t2d_cols = 128

    mesh = plsc.VectorSubcoreMesh(core_axis_name="c", subcore_axis_name="s")

    @functools.partial(
        pl.kernel,
        mesh=mesh,
        compiler_params=pltpu.CompilerParams(
            needs_layout_passes=False, use_tc_tiling_on_sc=True
        ),
        out_type=jax.ShapeDtypeStruct((B, D), jnp.float32),
        scratch_types=[
            pltpu.VMEM((N, G), jnp.int32),
            pltpu.VMEM((D,), jnp.float32),
            pltpu.VMEM((D,), jnp.float32),
        ]
        + [pltpu.VMEM((8192,), jnp.float32) for _ in range(NBUF)]
        + [pltpu.SemaphoreType.DMA for _ in range(2 * NBUF)],
    )
    def sc_kernel(x_hbm, t_hbm, g_hbm, b_hbm, o_hbm,
                  idx_all, g_v, b_v, *bufs_and_sems):
        rbufs = list(bufs_and_sems[:NBUF])
        gsems = list(bufs_and_sems[NBUF:2 * NBUF])
        ssems = list(bufs_and_sems[2 * NBUF:])
        wid = lax.axis_index("s") * NC + lax.axis_index("c")
        base = wid * rows_per_w

        pltpu.sync_copy(x_hbm.at[pl.ds(pl.multiple_of(wid * N, 8), N)], idx_all)

        GL = 64

        GF = 8192

        def gstart(c, b):
            pltpu.async_copy(
                t_hbm.at[pl.ds(pl.multiple_of(base * D + c * GF, 8), GF)], rbufs[b], gsems[b]
            )

        def gwait(c, b):
            pltpu.make_async_copy(
                t_hbm.at[pl.ds(pl.multiple_of(base * D + c * GF, 8), GF)], rbufs[b], gsems[b]
            ).wait()

        def ostart(c, b):
            pltpu.async_copy(
                rbufs[b], o_hbm.at[pl.ds(pl.multiple_of(base + c * 512, 8), 512)], ssems[b]
            )

        def owait(c, b):
            pltpu.make_async_copy(
                rbufs[b], o_hbm.at[pl.ds(pl.multiple_of(base + c * 512, 8), 512)], ssems[b]
            ).wait()

        def compute(b):
            rows_v = rbufs[b]

            def row_body(i, carry):
                vs = [rows_v[i, pl.ds(16 * j, 16)] for j in range(4)]
                total = jnp.sum(vs[0] + vs[1] + vs[2] + vs[3])
                mean = total * jnp.float32(1.0 / D)
                ts = [v - mean for v in vs]
                q = ts[0] * ts[0] + ts[1] * ts[1] + ts[2] * ts[2] + ts[3] * ts[3]
                var = jnp.sum(q) * jnp.float32(1.0 / D)
                rstd = _rsqrt(var + jnp.float32(EPS))
                for j in range(4):
                    rows_v[i, pl.ds(16 * j, 16)] = ts[j] * rstd * gs[j] + bs[j]
                return carry

            lax.fori_loop(0, G, row_body, 0, unroll=8)

        NL = 200
        for c in range(NBUF - 1):
            gstart(c, c)

        def group_body(g, carry):
            c0 = g * NBUF
            for b in range(NBUF):
                c = c0 + b
                gwait(c, b)

                @pl.when(c <= NL - NBUF)
                def _():
                    gstart(c + NBUF - 1, (b + NBUF - 1) % NBUF)

            return carry

        lax.fori_loop(0, NL // NBUF, group_body, 0)

    out = sc_kernel(x2d, table.reshape(-1), gamma, beta)
    return out.reshape(Bt, L, D)

# --- scband reference (transcript-rebuilt; emitter-appended) ---
"""Pipeline reference for scband-gene-encoder-32839319945777 (READ-ONLY COPY).

The authoritative reference and input builder live on the scoring server;
editing this copy changes nothing except your own understanding.
"""

import jax, jax.numpy as jnp
import numpy as np

NUM_EMBEDDINGS = 1000000
EMBEDDING_DIM = 64
EPS = 1e-5


def setup_inputs(seed: int = 0) -> dict:
    key = jax.random.key(seed)
    k1, k2 = jax.random.split(key)
    x = jax.random.randint(k1, (4096, 200), 0, NUM_EMBEDDINGS, dtype=jnp.int64 if jax.config.jax_enable_x64 else jnp.int32).astype(jnp.int32)
    table = jax.random.normal(k2, (NUM_EMBEDDINGS, EMBEDDING_DIM), dtype=jnp.float32)
    gamma = jnp.ones((EMBEDDING_DIM,), dtype=jnp.float32)
    beta = jnp.zeros((EMBEDDING_DIM,), dtype=jnp.float32)
    return {"x": x, "table": table, "gamma": gamma, "beta": beta}


def reference(x, table, gamma, beta):
    # nn.Embedding: gather rows of the table
    emb = jnp.take(table, x, axis=0)  # [B, L, D]
    # nn.LayerNorm over last dim, eps=1e-5, elementwise affine
    mean = jnp.mean(emb, axis=-1, keepdims=True)
    var = jnp.mean(jnp.square(emb - mean), axis=-1, keepdims=True)
    normed = (emb - mean) / jnp.sqrt(var + EPS)
    out = normed * gamma + beta
    return out

if __name__ == "__main__":
    import jax
    _d = setup_inputs()
    print(jax.jit(kernel)(*tuple(_d.values())))

</pallas_src>

<mosaic_0001>
#map = affine_map<(d0, d1) -> (0, 0)>
#map1 = affine_map<(d0, d1) -> (0)>
module attributes {stable_mosaic.version = 14 : i64} {
  func.func @sc_kernel(%arg0: i32, %arg1: i32, %arg2: memref<6400x128xi32, #tpu.memory_space<hbm>>, %arg3: memref<64000000xf32, #tpu.memory_space<hbm>>, %arg4: memref<64xf32, #tpu.memory_space<hbm>>, %arg5: memref<64xf32, #tpu.memory_space<hbm>>, %arg6: memref<819200x64xf32, #tpu.memory_space<hbm>>, %arg7: memref<200x128xi32, #tpu.memory_space<vmem>>, %arg8: memref<64xf32, #tpu.memory_space<vmem>>, %arg9: memref<64xf32, #tpu.memory_space<vmem>>, %arg10: memref<8192xf32, #tpu.memory_space<vmem>>, %arg11: memref<8192xf32, #tpu.memory_space<vmem>>, %arg12: memref<8192xf32, #tpu.memory_space<vmem>>, %arg13: memref<8192xf32, #tpu.memory_space<vmem>>, %arg14: memref<8192xf32, #tpu.memory_space<vmem>>, %arg15: memref<8192xf32, #tpu.memory_space<vmem>>, %arg16: memref<8192xf32, #tpu.memory_space<vmem>>, %arg17: memref<8192xf32, #tpu.memory_space<vmem>>, %arg18: memref<!tpu.dma_semaphore, #tpu.memory_space<semaphore_mem>>, %arg19: memref<!tpu.dma_semaphore, #tpu.memory_space<semaphore_mem>>, %arg20: memref<!tpu.dma_semaphore, #tpu.memory_space<semaphore_mem>>, %arg21: memref<!tpu.dma_semaphore, #tpu.memory_space<semaphore_mem>>, %arg22: memref<!tpu.dma_semaphore, #tpu.memory_space<semaphore_mem>>, %arg23: memref<!tpu.dma_semaphore, #tpu.memory_space<semaphore_mem>>, %arg24: memref<!tpu.dma_semaphore, #tpu.memory_space<semaphore_mem>>, %arg25: memref<!tpu.dma_semaphore, #tpu.memory_space<semaphore_mem>>, %arg26: memref<!tpu.dma_semaphore, #tpu.memory_space<semaphore_mem>>, %arg27: memref<!tpu.dma_semaphore, #tpu.memory_space<semaphore_mem>>, %arg28: memref<!tpu.dma_semaphore, #tpu.memory_space<semaphore_mem>>, %arg29: memref<!tpu.dma_semaphore, #tpu.memory_space<semaphore_mem>>, %arg30: memref<!tpu.dma_semaphore, #tpu.memory_space<semaphore_mem>>, %arg31: memref<!tpu.dma_semaphore, #tpu.memory_space<semaphore_mem>>, %arg32: memref<!tpu.dma_semaphore, #tpu.memory_space<semaphore_mem>>, %arg33: memref<!tpu.dma_semaphore, #tpu.memory_space<semaphore_mem>>) attributes {dimension_semantics = [#tpu.dimension_semantics<core_parallel>, #tpu.dimension_semantics<subcore_parallel>], iteration_bounds = array<i64: 2, 16>, scalar_prefetch = 0 : i64, scratch_operands = 27 : i64, tpu.core_type = #tpu.core_type<sc_vector_subcore>, window_params = [{transform_indices = #map}, {transform_indices = #map1}, {transform_indices = #map1}, {transform_indices = #map1}, {transform_indices = #map}]} {
    %mul3A = arith.constant 2 : i32
    %mul3A_0 = arith.muli %arg1, %mul3A : i32
    %add3A = arith.addi %mul3A_0, %arg0 : i32
    %mul3A_1 = arith.constant 25600 : i32
    %mul3A_2 = arith.muli %add3A, %mul3A_1 : i32
    %mul3A_3 = arith.constant 200 : i32
    %mul3A_4 = arith.muli %add3A, %mul3A_3 : i32
    %multiple_of3A = tpu.assume_multiple %mul3A_4, 8 : i32
    "tpu.region"() ({
      %run_scoped3A = tpu.sem_alloc : memref<!tpu.dma_semaphore, #tpu.memory_space<semaphore_mem>>
      %dma_start3A_58 = arith.constant 0 : i32
      %dma_start3A_59 = tpu.memref_slice %arg2[%multiple_of3A, %dma_start3A_58] : memref<6400x128xi32, #tpu.memory_space<hbm>> -> memref<200x128xi32, #tpu.memory_space<hbm>>
      %dma_start3A_60 = arith.constant 0 : i32
      %dma_start3A_61 = tpu.memref_slice %arg2[%multiple_of3A, %dma_start3A_60] : memref<6400x128xi32, #tpu.memory_space<hbm>> -> memref<200x128xi32, #tpu.memory_space<hbm>>
      tpu.enqueue_dma source(%dma_start3A_61 : memref<200x128xi32, #tpu.memory_space<hbm>>) target(%arg7 : memref<200x128xi32, #tpu.memory_space<vmem>>) target_semaphore(%run_scoped3A : memref<!tpu.dma_semaphore, #tpu.memory_space<semaphore_mem>>)
      %dma_wait3A = arith.constant 0 : i32
      %dma_wait3A_62 = tpu.memref_slice %arg2[%multiple_of3A, %dma_wait3A] : memref<6400x128xi32, #tpu.memory_space<hbm>> -> memref<200x128xi32, #tpu.memory_space<hbm>>
      %dma_wait3A_63 = arith.constant 0 : i32
      %dma_wait3A_64 = tpu.memref_slice %arg2[%multiple_of3A, %dma_wait3A_63] : memref<6400x128xi32, #tpu.memory_space<hbm>> -> memref<200x128xi32, #tpu.memory_space<hbm>>
      tpu.wait_dma2 semaphore(%run_scoped3A : memref<!tpu.dma_semaphore, #tpu.memory_space<semaphore_mem>>) src(%dma_wait3A_64 : memref<200x128xi32, #tpu.memory_space<hbm>>) dst(%arg7 : memref<200x128xi32, #tpu.memory_space<vmem>>)
      tpu.yield
    }) : () -> ()
    %mul3A_5 = arith.constant 64 : i32
    %mul3A_6 = arith.muli %mul3A_2, %mul3A_5 : i32
    %add3A_7 = arith.constant 0 : i32
    %add3A_8 = arith.addi %mul3A_6, %add3A_7 : i32
    %multiple_of3A_9 = tpu.assume_multiple %add3A_8, 8 : i32
    %dma_start3A = tpu.memref_slice %arg3[%multiple_of3A_9] : memref<64000000xf32, #tpu.memory_space<hbm>> -> memref<8192xf32, #tpu.memory_space<hbm>>
    %dma_start3A_10 = tpu.memref_slice %arg3[%multiple_of3A_9] : memref<64000000xf32, #tpu.memory_space<hbm>> -> memref<8192xf32, #tpu.memory_space<hbm>>
    tpu.enqueue_dma source(%dma_start3A_10 : memref<8192xf32, #tpu.memory_space<hbm>>) target(%arg10 : memref<8192xf32, #tpu.memory_space<vmem>>) target_semaphore(%arg18 : memref<!tpu.dma_semaphore, #tpu.memory_space<semaphore_mem>>)
    %mul3A_11 = arith.constant 64 : i32
    %mul3A_12 = arith.muli %mul3A_2, %mul3A_11 : i32
    %add3A_13 = arith.constant 8192 : i32
    %add3A_14 = arith.addi %mul3A_12, %add3A_13 : i32
    %multiple_of3A_15 = tpu.assume_multiple %add3A_14, 8 : i32
    %dma_start3A_16 = tpu.memref_slice %arg3[%multiple_of3A_15] : memref<64000000xf32, #tpu.memory_space<hbm>> -> memref<8192xf32, #tpu.memory_space<hbm>>
    %dma_start3A_17 = tpu.memref_slice %arg3[%multiple_of3A_15] : memref<64000000xf32, #tpu.memory_space<hbm>> -> memref<8192xf32, #tpu.memory_space<hbm>>
    tpu.enqueue_dma source(%dma_start3A_17 : memref<8192xf32, #tpu.memory_space<hbm>>) target(%arg11 : memref<8192xf32, #tpu.memory_space<vmem>>) target_semaphore(%arg19 : memref<!tpu.dma_semaphore, #tpu.memory_space<semaphore_mem>>)
    %mul3A_18 = arith.constant 64 : i32
    %mul3A_19 = arith.muli %mul3A_2, %mul3A_18 : i32
    %add3A_20 = arith.constant 16384 : i32
    %add3A_21 = arith.addi %mul3A_19, %add3A_20 : i32
    %multiple_of3A_22 = tpu.assume_multiple %add3A_21, 8 : i32
    %dma_start3A_23 = tpu.memref_slice %arg3[%multiple_of3A_22] : memref<64000000xf32, #tpu.memory_space<hbm>> -> memref<8192xf32, #tpu.memory_space<hbm>>
    %dma_start3A_24 = tpu.memref_slice %arg3[%multiple_of3A_22] : memref<64000000xf32, #tpu.memory_space<hbm>> -> memref<8192xf32, #tpu.memory_space<hbm>>
    tpu.enqueue_dma source(%dma_start3A_24 : memref<8192xf32, #tpu.memory_space<hbm>>) target(%arg12 : memref<8192xf32, #tpu.memory_space<vmem>>) target_semaphore(%arg20 : memref<!tpu.dma_semaphore, #tpu.memory_space<semaphore_mem>>)
    %mul3A_25 = arith.constant 64 : i32
    %mul3A_26 = arith.muli %mul3A_2, %mul3A_25 : i32
    %add3A_27 = arith.constant 24576 : i32
    %add3A_28 = arith.addi %mul3A_26, %add3A_27 : i32
    %multiple_of3A_29 = tpu.assume_multiple %add3A_28, 8 : i32
    %dma_start3A_30 = tpu.memref_slice %arg3[%multiple_of3A_29] : memref<64000000xf32, #tpu.memory_space<hbm>> -> memref<8192xf32, #tpu.memory_space<hbm>>
    %dma_start3A_31 = tpu.memref_slice %arg3[%multiple_of3A_29] : memref<64000000xf32, #tpu.memory_space<hbm>> -> memref<8192xf32, #tpu.memory_space<hbm>>
    tpu.enqueue_dma source(%dma_start3A_31 : memref<8192xf32, #tpu.memory_space<hbm>>) target(%arg13 : memref<8192xf32, #tpu.memory_space<vmem>>) target_semaphore(%arg21 : memref<!tpu.dma_semaphore, #tpu.memory_space<semaphore_mem>>)
    %mul3A_32 = arith.constant 64 : i32
    %mul3A_33 = arith.muli %mul3A_2, %mul3A_32 : i32
    %add3A_34 = arith.constant 32768 : i32
    %add3A_35 = arith.addi %mul3A_33, %add3A_34 : i32
    %multiple_of3A_36 = tpu.assume_multiple %add3A_35, 8 : i32
    %dma_start3A_37 = tpu.memref_slice %arg3[%multiple_of3A_36] : memref<64000000xf32, #tpu.memory_space<hbm>> -> memref<8192xf32, #tpu.memory_space<hbm>>
    %dma_start3A_38 = tpu.memref_slice %arg3[%multiple_of3A_36] : memref<64000000xf32, #tpu.memory_space<hbm>> -> memref<8192xf32, #tpu.memory_space<hbm>>
    tpu.enqueue_dma source(%dma_start3A_38 : memref<8192xf32, #tpu.memory_space<hbm>>) target(%arg14 : memref<8192xf32, #tpu.memory_space<vmem>>) target_semaphore(%arg22 : memref<!tpu.dma_semaphore, #tpu.memory_space<semaphore_mem>>)
    %mul3A_39 = arith.constant 64 : i32
    %mul3A_40 = arith.muli %mul3A_2, %mul3A_39 : i32
    %add3A_41 = arith.constant 40960 : i32
    %add3A_42 = arith.addi %mul3A_40, %add3A_41 : i32
    %multiple_of3A_43 = tpu.assume_multiple %add3A_42, 8 : i32
    %dma_start3A_44 = tpu.memref_slice %arg3[%multiple_of3A_43] : memref<64000000xf32, #tpu.memory_space<hbm>> -> memref<8192xf32, #tpu.memory_space<hbm>>
    %dma_start3A_45 = tpu.memref_slice %arg3[%multiple_of3A_43] : memref<64000000xf32, #tpu.memory_space<hbm>> -> memref<8192xf32, #tpu.memory_space<hbm>>
    tpu.enqueue_dma source(%dma_start3A_45 : memref<8192xf32, #tpu.memory_space<hbm>>) target(%arg15 : memref<8192xf32, #tpu.memory_space<vmem>>) target_semaphore(%arg23 : memref<!tpu.dma_semaphore, #tpu.memory_space<semaphore_mem>>)
    %mul3A_46 = arith.constant 64 : i32
    %mul3A_47 = arith.muli %mul3A_2, %mul3A_46 : i32
    %add3A_48 = arith.constant 49152 : i32
    %add3A_49 = arith.addi %mul3A_47, %add3A_48 : i32
    %multiple_of3A_50 = tpu.assume_multiple %add3A_49, 8 : i32
    %dma_start3A_51 = tpu.memref_slice %arg3[%multiple_of3A_50] : memref<64000000xf32, #tpu.memory_space<hbm>> -> memref<8192xf32, #tpu.memory_space<hbm>>
    %dma_start3A_52 = tpu.memref_slice %arg3[%multiple_of3A_50] : memref<64000000xf32, #tpu.memory_space<hbm>> -> memref<8192xf32, #tpu.memory_space<hbm>>
    tpu.enqueue_dma source(%dma_start3A_52 : memref<8192xf32, #tpu.memory_space<hbm>>) target(%arg16 : memref<8192xf32, #tpu.memory_space<vmem>>) target_semaphore(%arg24 : memref<!tpu.dma_semaphore, #tpu.memory_space<semaphore_mem>>)
    %scan3A = arith.constant 0 : i32
    %scan3A_53 = arith.constant 0 : i32
    %scan3A_54 = arith.constant 25 : i32
    %scan3A_55 = arith.addi %scan3A_53, %scan3A_54 : i32
    %scan3A_56 = arith.constant 1 : i32
    scf.for %scan3A_58 = %scan3A_53 to %scan3A_55 step %scan3A_56  : i32 {
      %mul3A_59 = arith.constant 8 : i32
      %mul3A_60 = arith.muli %scan3A_58, %mul3A_59 : i32
      %add3A_61 = arith.constant 0 : i32
      %add3A_62 = arith.addi %mul3A_60, %add3A_61 : i32
      %mul3A_63 = arith.constant 64 : i32
      %mul3A_64 = arith.muli %mul3A_2, %mul3A_63 : i32
      %mul3A_65 = arith.constant 8192 : i32
      %mul3A_66 = arith.muli %add3A_62, %mul3A_65 : i32
      %add3A_67 = arith.addi %mul3A_64, %mul3A_66 : i32
      %multiple_of3A_68 = tpu.assume_multiple %add3A_67, 8 : i32
      %dma_wait3A = tpu.memref_slice %arg3[%multiple_of3A_68] : memref<64000000xf32, #tpu.memory_space<hbm>> -> memref<8192xf32, #tpu.memory_space<hbm>>
      %dma_wait3A_69 = tpu.memref_slice %arg3[%multiple_of3A_68] : memref<64000000xf32, #tpu.memory_space<hbm>> -> memref<8192xf32, #tpu.memory_space<hbm>>
      tpu.wait_dma2 semaphore(%arg18 : memref<!tpu.dma_semaphore, #tpu.memory_space<semaphore_mem>>) src(%dma_wait3A_69 : memref<8192xf32, #tpu.memory_space<hbm>>) dst(%arg10 : memref<8192xf32, #tpu.memory_space<vmem>>)
      %le3A = arith.constant 192 : i32
      %le3A_70 = arith.cmpi sle, %add3A_62, %le3A : i32
      %convert_element_type3A = arith.extui %le3A_70 : i1 to i32
      %cond3A = arith.constant 0 : i32
      %cond3A_71 = arith.cmpi ne, %convert_element_type3A, %cond3A : i32
      scf.if %cond3A_71 {
        %add3A_177 = arith.constant 8 : i32
        %add3A_178 = arith.addi %add3A_62, %add3A_177 : i32
        %sub3A = arith.constant 1 : i32
        %sub3A_179 = arith.subi %add3A_178, %sub3A : i32
        %mul3A_180 = arith.constant 64 : i32
        %mul3A_181 = arith.muli %mul3A_2, %mul3A_180 : i32
        %mul3A_182 = arith.constant 8192 : i32
        %mul3A_183 = arith.muli %sub3A_179, %mul3A_182 : i32
        %add3A_184 = arith.addi %mul3A_181, %mul3A_183 : i32
        %multiple_of3A_185 = tpu.assume_multiple %add3A_184, 8 : i32
        %dma_start3A_186 = tpu.memref_slice %arg3[%multiple_of3A_185] : memref<64000000xf32, #tpu.memory_space<hbm>> -> memref<8192xf32, #tpu.memory_space<hbm>>
        %dma_start3A_187 = tpu.memref_slice %arg3[%multiple_of3A_185] : memref<64000000xf32, #tpu.memory_space<hbm>> -> memref<8192xf32, #tpu.memory_space<hbm>>
        tpu.enqueue_dma source(%dma_start3A_187 : memref<8192xf32, #tpu.memory_space<hbm>>) target(%arg17 : memref<8192xf32, #tpu.memory_space<vmem>>) target_semaphore(%arg25 : memref<!tpu.dma_semaphore, #tpu.memory_space<semaphore_mem>>)
      } else {
      }
      %add3A_72 = arith.constant 1 : i32
      %add3A_73 = arith.addi %mul3A_60, %add3A_72 : i32
      %mul3A_74 = arith.constant 64 : i32
      %mul3A_75 = arith.muli %mul3A_2, %mul3A_74 : i32
      %mul3A_76 = arith.constant 8192 : i32
      %mul3A_77 = arith.muli %add3A_73, %mul3A_76 : i32
      %add3A_78 = arith.addi %mul3A_75, %mul3A_77 : i32
      %multiple_of3A_79 = tpu.assume_multiple %add3A_78, 8 : i32
      %dma_wait3A_80 = tpu.memref_slice %arg3[%multiple_of3A_79] : memref<64000000xf32, #tpu.memory_space<hbm>> -> memref<8192xf32, #tpu.memory_space<hbm>>
      %dma_wait3A_81 = tpu.memref_slice %arg3[%multiple_of3A_79] : memref<64000000xf32, #tpu.memory_space<hbm>> -> memref<8192xf32, #tpu.memory_space<hbm>>
      tpu.wait_dma2 semaphore(%arg19 : memref<!tpu.dma_semaphore, #tpu.memory_space<semaphore_mem>>) src(%dma_wait3A_81 : memref<8192xf32, #tpu.memory_space<hbm>>) dst(%arg11 : memref<8192xf32, #tpu.memory_space<vmem>>)
      %le3A_82 = arith.constant 192 : i32
      %le3A_83 = arith.cmpi sle, %add3A_73, %le3A_82 : i32
      %convert_element_type3A_84 = arith.extui %le3A_83 : i1 to i32
      %cond3A_85 = arith.constant 0 : i32
      %cond3A_86 = arith.cmpi ne, %convert_element_type3A_84, %cond3A_85 : i32
      scf.if %cond3A_86 {
        %add3A_177 = arith.constant 8 : i32
        %add3A_178 = arith.addi %add3A_73, %add3A_177 : i32
        %sub3A = arith.constant 1 : i32
        %sub3A_179 = arith.subi %add3A_178, %sub3A : i32
        %mul3A_180 = arith.constant 64 : i32
        %mul3A_181 = arith.muli %mul3A_2, %mul3A_180 : i32
        %mul3A_182 = arith.constant 8192 : i32
        %mul3A_183 = arith.muli %sub3A_179, %mul3A_182 : i32
        %add3A_184 = arith.addi %mul3A_181, %mul3A_183 : i32
        %multiple_of3A_185 = tpu.assume_multiple %add3A_184, 8 : i32
        %dma_start3A_186 = tpu.memref_slice %arg3[%multiple_of3A_185] : memref<64000000xf32, #tpu.memory_space<hbm>> -> memref<8192xf32, #tpu.memory_space<hbm>>
        %dma_start3A_187 = tpu.memref_slice %arg3[%multiple_of3A_185] : memref<64000000xf32, #tpu.memory_space<hbm>> -> memref<8192xf32, #tpu.memory_space<hbm>>
        tpu.enqueue_dma source(%dma_start3A_187 : memref<8192xf32, #tpu.memory_space<hbm>>) target(%arg10 : memref<8192xf32, #tpu.memory_space<vmem>>) target_semaphore(%arg18 : memref<!tpu.dma_semaphore, #tpu.memory_space<semaphore_mem>>)
      } else {
      }
      %add3A_87 = arith.constant 2 : i32
      %add3A_88 = arith.addi %mul3A_60, %add3A_87 : i32
      %mul3A_89 = arith.constant 64 : i32
      %mul3A_90 = arith.muli %mul3A_2, %mul3A_89 : i32
      %mul3A_91 = arith.constant 8192 : i32
      %mul3A_92 = arith.muli %add3A_88, %mul3A_91 : i32
      %add3A_93 = arith.addi %mul3A_90, %mul3A_92 : i32
      %multiple_of3A_94 = tpu.assume_multiple %add3A_93, 8 : i32
      %dma_wait3A_95 = tpu.memref_slice %arg3[%multiple_of3A_94] : memref<64000000xf32, #tpu.memory_space<hbm>> -> memref<8192xf32, #tpu.memory_space<hbm>>
      %dma_wait3A_96 = tpu.memref_slice %arg3[%multiple_of3A_94] : memref<64000000xf32, #tpu.memory_space<hbm>> -> memref<8192xf32, #tpu.memory_space<hbm>>
      tpu.wait_dma2 semaphore(%arg20 : memref<!tpu.dma_semaphore, #tpu.memory_space<semaphore_mem>>) src(%dma_wait3A_96 : memref<8192xf32, #tpu.memory_space<hbm>>) dst(%arg12 : memref<8192xf32, #tpu.memory_space<vmem>>)
      %le3A_97 = arith.constant 192 : i32
      %le3A_98 = arith.cmpi sle, %add3A_88, %le3A_97 : i32
      %convert_element_type3A_99 = arith.extui %le3A_98 : i1 to i32
      %cond3A_100 = arith.constant 0 : i32
      %cond3A_101 = arith.cmpi ne, %convert_element_type3A_99, %cond3A_100 : i32
      scf.if %cond3A_101 {
        %add3A_177 = arith.constant 8 : i32
        %add3A_178 = arith.addi %add3A_88, %add3A_177 : i32
        %sub3A = arith.constant 1 : i32
        %sub3A_179 = arith.subi %add3A_178, %sub3A : i32
        %mul3A_180 = arith.constant 64 : i32
        %mul3A_181 = arith.muli %mul3A_2, %mul3A_180 : i32
        %mul3A_182 = arith.constant 8192 : i32
        %mul3A_183 = arith.muli %sub3A_179, %mul3A_182 : i32
        %add3A_184 = arith.addi %mul3A_181, %mul3A_183 : i32
        %multiple_of3A_185 = tpu.assume_multiple %add3A_184, 8 : i32
        %dma_start3A_186 = tpu.memref_slice %arg3[%multiple_of3A_185] : memref<64000000xf32, #tpu.memory_space<hbm>> -> memref<8192xf32, #tpu.memory_space<hbm>>
        %dma_start3A_187 = tpu.memref_slice %arg3[%multiple_of3A_185] : memref<64000000xf32, #tpu.memory_space<hbm>> -> memref<8192xf32, #tpu.memory_space<hbm>>
        tpu.enqueue_dma source(%dma_start3A_187 : memref<8192xf32, #tpu.memory_space<hbm>>) target(%arg11 : memref<8192xf32, #tpu.memory_space<vmem>>) target_semaphore(%arg19 : memref<!tpu.dma_semaphore, #tpu.memory_space<semaphore_mem>>)
      } else {
      }
      %add3A_102 = arith.constant 3 : i32
      %add3A_103 = arith.addi %mul3A_60, %add3A_102 : i32
      %mul3A_104 = arith.constant 64 : i32
      %mul3A_105 = arith.muli %mul3A_2, %mul3A_104 : i32
      %mul3A_106 = arith.constant 8192 : i32
      %mul3A_107 = arith.muli %add3A_103, %mul3A_106 : i32
      %add3A_108 = arith.addi %mul3A_105, %mul3A_107 : i32
      %multiple_of3A_109 = tpu.assume_multiple %add3A_108, 8 : i32
      %dma_wait3A_110 = tpu.memref_slice %arg3[%multiple_of3A_109] : memref<64000000xf32, #tpu.memory_space<hbm>> -> memref<8192xf32, #tpu.memory_space<hbm>>
      %dma_wait3A_111 = tpu.memref_slice %arg3[%multiple_of3A_109] : memref<64000000xf32, #tpu.memory_space<hbm>> -> memref<8192xf32, #tpu.memory_space<hbm>>
      tpu.wait_dma2 semaphore(%arg21 : memref<!tpu.dma_semaphore, #tpu.memory_space<semaphore_mem>>) src(%dma_wait3A_111 : memref<8192xf32, #tpu.memory_space<hbm>>) dst(%arg13 : memref<8192xf32, #tpu.memory_space<vmem>>)
      %le3A_112 = arith.constant 192 : i32
      %le3A_113 = arith.cmpi sle, %add3A_103, %le3A_112 : i32
      %convert_element_type3A_114 = arith.extui %le3A_113 : i1 to i32
      %cond3A_115 = arith.constant 0 : i32
      %cond3A_116 = arith.cmpi ne, %convert_element_type3A_114, %cond3A_115 : i32
      scf.if %cond3A_116 {
        %add3A_177 = arith.constant 8 : i32
        %add3A_178 = arith.addi %add3A_103, %add3A_177 : i32
        %sub3A = arith.constant 1 : i32
        %sub3A_179 = arith.subi %add3A_178, %sub3A : i32
        %mul3A_180 = arith.constant 64 : i32
        %mul3A_181 = arith.muli %mul3A_2, %mul3A_180 : i32
        %mul3A_182 = arith.constant 8192 : i32
        %mul3A_183 = arith.muli %sub3A_179, %mul3A_182 : i32
        %add3A_184 = arith.addi %mul3A_181, %mul3A_183 : i32
        %multiple_of3A_185 = tpu.assume_multiple %add3A_184, 8 : i32
        %dma_start3A_186 = tpu.memref_slice %arg3[%multiple_of3A_185] : memref<64000000xf32, #tpu.memory_space<hbm>> -> memref<8192xf32, #tpu.memory_space<hbm>>
        %dma_start3A_187 = tpu.memref_slice %arg3[%multiple_of3A_185] : memref<64000000xf32, #tpu.memory_space<hbm>> -> memref<8192xf32, #tpu.memory_space<hbm>>
        tpu.enqueue_dma source(%dma_start3A_187 : memref<8192xf32, #tpu.memory_space<hbm>>) target(%arg12 : memref<8192xf32, #tpu.memory_space<vmem>>) target_semaphore(%arg20 : memref<!tpu.dma_semaphore, #tpu.memory_space<semaphore_mem>>)
      } else {
      }
      %add3A_117 = arith.constant 4 : i32
      %add3A_118 = arith.addi %mul3A_60, %add3A_117 : i32
      %mul3A_119 = arith.constant 64 : i32
      %mul3A_120 = arith.muli %mul3A_2, %mul3A_119 : i32
      %mul3A_121 = arith.constant 8192 : i32
      %mul3A_122 = arith.muli %add3A_118, %mul3A_121 : i32
      %add3A_123 = arith.addi %mul3A_120, %mul3A_122 : i32
      %multiple_of3A_124 = tpu.assume_multiple %add3A_123, 8 : i32
      %dma_wait3A_125 = tpu.memref_slice %arg3[%multiple_of3A_124] : memref<64000000xf32, #tpu.memory_space<hbm>> -> memref<8192xf32, #tpu.memory_space<hbm>>
      %dma_wait3A_126 = tpu.memref_slice %arg3[%multiple_of3A_124] : memref<64000000xf32, #tpu.memory_space<hbm>> -> memref<8192xf32, #tpu.memory_space<hbm>>
      tpu.wait_dma2 semaphore(%arg22 : memref<!tpu.dma_semaphore, #tpu.memory_space<semaphore_mem>>) src(%dma_wait3A_126 : memref<8192xf32, #tpu.memory_space<hbm>>) dst(%arg14 : memref<8192xf32, #tpu.memory_space<vmem>>)
      %le3A_127 = arith.constant 192 : i32
      %le3A_128 = arith.cmpi sle, %add3A_118, %le3A_127 : i32
      %convert_element_type3A_129 = arith.extui %le3A_128 : i1 to i32
      %cond3A_130 = arith.constant 0 : i32
      %cond3A_131 = arith.cmpi ne, %convert_element_type3A_129, %cond3A_130 : i32
      scf.if %cond3A_131 {
        %add3A_177 = arith.constant 8 : i32
        %add3A_178 = arith.addi %add3A_118, %add3A_177 : i32
        %sub3A = arith.constant 1 : i32
        %sub3A_179 = arith.subi %add3A_178, %sub3A : i32
        %mul3A_180 = arith.constant 64 : i32
        %mul3A_181 = arith.muli %mul3A_2, %mul3A_180 : i32
        %mul3A_182 = arith.constant 8192 : i32
        %mul3A_183 = arith.muli %sub3A_179, %mul3A_182 : i32
        %add3A_184 = arith.addi %mul3A_181, %mul3A_183 : i32
        %multiple_of3A_185 = tpu.assume_multiple %add3A_184, 8 : i32
        %dma_start3A_186 = tpu.memref_slice %arg3[%multiple_of3A_185] : memref<64000000xf32, #tpu.memory_space<hbm>> -> memref<8192xf32, #tpu.memory_space<hbm>>
        %dma_start3A_187 = tpu.memref_slice %arg3[%multiple_of3A_185] : memref<64000000xf32, #tpu.memory_space<hbm>> -> memref<8192xf32, #tpu.memory_space<hbm>>
        tpu.enqueue_dma source(%dma_start3A_187 : memref<8192xf32, #tpu.memory_space<hbm>>) target(%arg13 : memref<8192xf32, #tpu.memory_space<vmem>>) target_semaphore(%arg21 : memref<!tpu.dma_semaphore, #tpu.memory_space<semaphore_mem>>)
      } else {
      }
      %add3A_132 = arith.constant 5 : i32
      %add3A_133 = arith.addi %mul3A_60, %add3A_132 : i32
      %mul3A_134 = arith.constant 64 : i32
      %mul3A_135 = arith.muli %mul3A_2, %mul3A_134 : i32
      %mul3A_136 = arith.constant 8192 : i32
      %mul3A_137 = arith.muli %add3A_133, %mul3A_136 : i32
      %add3A_138 = arith.addi %mul3A_135, %mul3A_137 : i32
      %multiple_of3A_139 = tpu.assume_multiple %add3A_138, 8 : i32
      %dma_wait3A_140 = tpu.memref_slice %arg3[%multiple_of3A_139] : memref<64000000xf32, #tpu.memory_space<hbm>> -> memref<8192xf32, #tpu.memory_space<hbm>>
      %dma_wait3A_141 = tpu.memref_slice %arg3[%multiple_of3A_139] : memref<64000000xf32, #tpu.memory_space<hbm>> -> memref<8192xf32, #tpu.memory_space<hbm>>
      tpu.wait_dma2 semaphore(%arg23 : memref<!tpu.dma_semaphore, #tpu.memory_space<semaphore_mem>>) src(%dma_wait3A_141 : memref<8192xf32, #tpu.memory_space<hbm>>) dst(%arg15 : memref<8192xf32, #tpu.memory_space<vmem>>)
      %le3A_142 = arith.constant 192 : i32
      %le3A_143 = arith.cmpi sle, %add3A_133, %le3A_142 : i32
      %convert_element_type3A_144 = arith.extui %le3A_143 : i1 to i32
      %cond3A_145 = arith.constant 0 : i32
      %cond3A_146 = arith.cmpi ne, %convert_element_type3A_144, %cond3A_145 : i32
      scf.if %cond3A_146 {
        %add3A_177 = arith.constant 8 : i32
        %add3A_178 = arith.addi %add3A_133, %add3A_177 : i32
        %sub3A = arith.constant 1 : i32
        %sub3A_179 = arith.subi %add3A_178, %sub3A : i32
        %mul3A_180 = arith.constant 64 : i32
        %mul3A_181 = arith.muli %mul3A_2, %mul3A_180 : i32
        %mul3A_182 = arith.constant 8192 : i32
        %mul3A_183 = arith.muli %sub3A_179, %mul3A_182 : i32
        %add3A_184 = arith.addi %mul3A_181, %mul3A_183 : i32
        %multiple_of3A_185 = tpu.assume_multiple %add3A_184, 8 : i32
        %dma_start3A_186 = tpu.memref_slice %arg3[%multiple_of3A_185] : memref<64000000xf32, #tpu.memory_space<hbm>> -> memref<8192xf32, #tpu.memory_space<hbm>>
        %dma_start3A_187 = tpu.memref_slice %arg3[%multiple_of3A_185] : memref<64000000xf32, #tpu.memory_space<hbm>> -> memref<8192xf32, #tpu.memory_space<hbm>>
        tpu.enqueue_dma source(%dma_start3A_187 : memref<8192xf32, #tpu.memory_space<hbm>>) target(%arg14 : memref<8192xf32, #tpu.memory_space<vmem>>) target_semaphore(%arg22 : memref<!tpu.dma_semaphore, #tpu.memory_space<semaphore_mem>>)
      } else {
      }
      %add3A_147 = arith.constant 6 : i32
      %add3A_148 = arith.addi %mul3A_60, %add3A_147 : i32
      %mul3A_149 = arith.constant 64 : i32
      %mul3A_150 = arith.muli %mul3A_2, %mul3A_149 : i32
      %mul3A_151 = arith.constant 8192 : i32
      %mul3A_152 = arith.muli %add3A_148, %mul3A_151 : i32
      %add3A_153 = arith.addi %mul3A_150, %mul3A_152 : i32
      %multiple_of3A_154 = tpu.assume_multiple %add3A_153, 8 : i32
      %dma_wait3A_155 = tpu.memref_slice %arg3[%multiple_of3A_154] : memref<64000000xf32, #tpu.memory_space<hbm>> -> memref<8192xf32, #tpu.memory_space<hbm>>
      %dma_wait3A_156 = tpu.memref_slice %arg3[%multiple_of3A_154] : memref<64000000xf32, #tpu.memory_space<hbm>> -> memref<8192xf32, #tpu.memory_space<hbm>>
      tpu.wait_dma2 semaphore(%arg24 : memref<!tpu.dma_semaphore, #tpu.memory_space<semaphore_mem>>) src(%dma_wait3A_156 : memref<8192xf32, #tpu.memory_space<hbm>>) dst(%arg16 : memref<8192xf32, #tpu.memory_space<vmem>>)
      %le3A_157 = arith.constant 192 : i32
      %le3A_158 = arith.cmpi sle, %add3A_148, %le3A_157 : i32
      %convert_element_type3A_159 = arith.extui %le3A_158 : i1 to i32
      %cond3A_160 = arith.constant 0 : i32
      %cond3A_161 = arith.cmpi ne, %convert_element_type3A_159, %cond3A_160 : i32
      scf.if %cond3A_161 {
        %add3A_177 = arith.constant 8 : i32
        %add3A_178 = arith.addi %add3A_148, %add3A_177 : i32
        %sub3A = arith.constant 1 : i32
        %sub3A_179 = arith.subi %add3A_178, %sub3A : i32
        %mul3A_180 = arith.constant 64 : i32
        %mul3A_181 = arith.muli %mul3A_2, %mul3A_180 : i32
        %mul3A_182 = arith.constant 8192 : i32
        %mul3A_183 = arith.muli %sub3A_179, %mul3A_182 : i32
        %add3A_184 = arith.addi %mul3A_181, %mul3A_183 : i32
        %multiple_of3A_185 = tpu.assume_multiple %add3A_184, 8 : i32
        %dma_start3A_186 = tpu.memref_slice %arg3[%multiple_of3A_185] : memref<64000000xf32, #tpu.memory_space<hbm>> -> memref<8192xf32, #tpu.memory_space<hbm>>
        %dma_start3A_187 = tpu.memref_slice %arg3[%multiple_of3A_185] : memref<64000000xf32, #tpu.memory_space<hbm>> -> memref<8192xf32, #tpu.memory_space<hbm>>
        tpu.enqueue_dma source(%dma_start3A_187 : memref<8192xf32, #tpu.memory_space<hbm>>) target(%arg15 : memref<8192xf32, #tpu.memory_space<vmem>>) target_semaphore(%arg23 : memref<!tpu.dma_semaphore, #tpu.memory_space<semaphore_mem>>)
      } else {
      }
      %add3A_162 = arith.constant 7 : i32
      %add3A_163 = arith.addi %mul3A_60, %add3A_162 : i32
      %mul3A_164 = arith.constant 64 : i32
      %mul3A_165 = arith.muli %mul3A_2, %mul3A_164 : i32
      %mul3A_166 = arith.constant 8192 : i32
      %mul3A_167 = arith.muli %add3A_163, %mul3A_166 : i32
      %add3A_168 = arith.addi %mul3A_165, %mul3A_167 : i32
      %multiple_of3A_169 = tpu.assume_multiple %add3A_168, 8 : i32
      %dma_wait3A_170 = tpu.memref_slice %arg3[%multiple_of3A_169] : memref<64000000xf32, #tpu.memory_space<hbm>> -> memref<8192xf32, #tpu.memory_space<hbm>>
      %dma_wait3A_171 = tpu.memref_slice %arg3[%multiple_of3A_169] : memref<64000000xf32, #tpu.memory_space<hbm>> -> memref<8192xf32, #tpu.memory_space<hbm>>
      tpu.wait_dma2 semaphore(%arg25 : memref<!tpu.dma_semaphore, #tpu.memory_space<semaphore_mem>>) src(%dma_wait3A_171 : memref<8192xf32, #tpu.memory_space<hbm>>) dst(%arg17 : memref<8192xf32, #tpu.memory_space<vmem>>)
      %le3A_172 = arith.constant 192 : i32
      %le3A_173 = arith.cmpi sle, %add3A_163, %le3A_172 : i32
      %convert_element_type3A_174 = arith.extui %le3A_173 : i1 to i32
      %cond3A_175 = arith.constant 0 : i32
      %cond3A_176 = arith.cmpi ne, %convert_element_type3A_174, %cond3A_175 : i32
      scf.if %cond3A_176 {
        %add3A_177 = arith.constant 8 : i32
        %add3A_178 = arith.addi %add3A_163, %add3A_177 : i32
        %sub3A = arith.constant 1 : i32
        %sub3A_179 = arith.subi %add3A_178, %sub3A : i32
        %mul3A_180 = arith.constant 64 : i32
        %mul3A_181 = arith.muli %mul3A_2, %mul3A_180 : i32
        %mul3A_182 = arith.constant 8192 : i32
        %mul3A_183 = arith.muli %sub3A_179, %mul3A_182 : i32
        %add3A_184 = arith.addi %mul3A_181, %mul3A_183 : i32
        %multiple_of3A_185 = tpu.assume_multiple %add3A_184, 8 : i32
        %dma_start3A_186 = tpu.memref_slice %arg3[%multiple_of3A_185] : memref<64000000xf32, #tpu.memory_space<hbm>> -> memref<8192xf32, #tpu.memory_space<hbm>>
        %dma_start3A_187 = tpu.memref_slice %arg3[%multiple_of3A_185] : memref<64000000xf32, #tpu.memory_space<hbm>> -> memref<8192xf32, #tpu.memory_space<hbm>>
        tpu.enqueue_dma source(%dma_start3A_187 : memref<8192xf32, #tpu.memory_space<hbm>>) target(%arg16 : memref<8192xf32, #tpu.memory_space<vmem>>) target_semaphore(%arg24 : memref<!tpu.dma_semaphore, #tpu.memory_space<semaphore_mem>>)
      } else {
      }
    }
    %scan3A_57 = arith.constant 25 : i32
    return
  }
}

</mosaic_0001>

<sc_bundles>
// kernel: kernel.3.cloned.1.call-start
scs
__scs_entry_jumppad:
0x0: {  	(pc) =	sbr.rel $0x88, $3  }
0x1: {  	(tag) =	ssettag $0x0;
	lr =	simm.s32 $0x1  }
0x2: {  	[smem:$0x3F9D] =	sst lr;
	_ =	strace $0xD0000000  }
0x3: {  	_ = 	snop  }
0x4: {  	_ = 	snop  }
0x5: {  	_ = 	snop  }
0x6: {  	_ = 	snop  }
0x7: {  	_ = 	snop  }
__scs_overlays_trampoline_lowered:
0x8: {  	[smem:$0x3FAC] =	sst s0  }
0x9: {  	[smem:$0x3FAD] =	sst s1  }
0xa: {  	[smem:$0x3FAE] =	sst s2  }
0xb: {  	[smem:$0x3FAF] =	sst s3  }
0xc: {  	[smem:$0x3FB0] =	sst s4  }
0xd: {  	[smem:$0x3FB1] =	sst s5  }
0xe: {  	[smem:$0x3FB2] =	sst s6  }
0xf: {  	[smem:$0x3FB3] =	sst s7  }
0x10: {  	[smem:$0x3FB4] =	sst s8  }
0x11: {  	[smem:$0x3FB5] =	sst s9;
	s0 =	simm.s32 @!p0 $0x0  }
0x12: {  	s1 =	sld [smem:$0x3F9B];
	s0 =	simm.s32 @p0 $0x1  }
0x13: {  	[smem:$0x3FB6] =	sst s0;
	s0 =	simm.s32 @!p1 $0x0  }
0x14: {  	s2 =	sld [smem:$0x3F9A];
	s0 =	simm.s32 @p1 $0x1  }
0x15: {  	[smem:$0x3FB7] =	sst s0;
	s0 =	simm.s32 @!p2 $0x0  }
0x16: {  	s3 =	sld [smem:$0x3FDB];
	s0 =	simm.s32 @p2 $0x1  }
0x17: {  	s4 =	simm.s32 $0x1BF5;
	[smem:$0x3FB9] =	sst s0  }
0x18: {  	s0 =	sld [smem:$0x3F9C];
	_ =	swait.ge [sflag:s4], $0x0  }
0x19: {  	s7 =	sld [smem:$0x3F9D]  }
0x1a: {  	s8 =	sadd.s32 $0xFFFFE003, lr  }
0x1b: {  	s9 =	sadd.s32 $0xFFFFFEF7, lr;
	s5 =	simm.s32 $0xFFFFFFFF;
	p2 =	slt.u32 s8, $0xFFFFF086  }
0x1c: {  	p1 =	slt.u32 s9, $0xF7A;
	s5 =	simm.s32 @!p2 $0x0  }
0x1d: {  	s5 =	simm.s32 @p1 $0x1;
	p0 =	seq.s32 s7, s2  }
0x1e: {  	s7 =	smul.u32 @!p0 $0xF7A, s2;
	p2 =	seq.s32 @!p0 s5, $0x0  }
0x1f: {  	s9 =	smul.u32 $0xF7A, s1;
	s8 =	simm.s32 @!p0 $0x1BF5;
	p2 =	por !p2, p0  }
0x20: {  	[sflag:s8] =	ssyncset.s32 @!p0 $0xFFFFF086;
	s6 =	sadd.s32 @!p0 s3, s7;
	s7 =	simm.s32 @!p0 $0x108  }
0x21: {  	s3 =	sadd.s32 s3, s9;
	s6 =	sadd.s32 @!p0 $0x88, s6;
	s7 =	simm.s32 @p2 $0x1082  }
0x22: {  	[simem:s7], [sflag:s8] =	dma.local @!p0 [hbm:s6], $0xF7A  }
0x23: {  	s9 =	sor.u32 $0xD0000000, s2;
	s6 =	simm.s32 $0x108;
	_ =	swait.ge @!p0 [sflag:s8], $0x0  }
0x24: {  	s3 =	sadd.s32 $0x88, s3;
	s6 =	simm.s32 @!p1 $0x1082;
	[sflag:s4] =	ssyncset.s32 $0xFFFFF086  }
0x25: {  	[simem:s6], [sflag:s4] =	dma.local [hbm:s3], $0xF7A  }
0x26: {  	[smem:$0x3F9D] =	sst s1;
	(tag) =	ssettag s2;
	_ =	strace s9  }
0x27: {  	s1 =	sld [smem:$0x3FAD]  }
0x28: {  	s2 =	sld [smem:$0x3FAE]  }
0x29: {  	s4 =	sld [smem:$0x3FB0]  }
0x2a: {  	p0 =	seq.s32 s5, $0x0;
	s5 =	sld [smem:$0x3FB1]  }
0x2b: {  	s6 =	sld [smem:$0x3FB2]  }
0x2c: {  	s7 =	sld [smem:$0x3FB3]  }
0x2d: {  	s3 =	simm.s32 $0x108;
	s8 =	sld [smem:$0x3FB4]  }
0x2e: {  	s3 =	simm.s32 @!p0 $0x1082;
	s9 =	sld [smem:$0x3FB5]  }
0x2f: {  	lr =	sadd.s32 s0, s3;
	s0 =	sld [smem:$0x3FAC]  }
0x30: {  	s3 =	sld [smem:$0x3FAF]  }
0x31: {  	[smem:$0x3FB8] =	sst s10  }
0x32: {  	s10 =	sld [smem:$0x3FB6];
	_ =	sdelay $0x3  }
0x33: {  	p0 =	seq.s32 s10, $0x1;
	s10 =	sld [smem:$0x3FB8];
	_ =	sdelay $0x3  }
0x34: {  	[smem:$0x3FB8] =	sst s10  }
0x35: {  	s10 =	sld [smem:$0x3FB7];
	_ =	sdelay $0x3  }
0x36: {  	p1 =	seq.s32 s10, $0x1;
	s10 =	sld [smem:$0x3FB8];
	_ =	sdelay $0x3  }
0x37: {  	[smem:$0x3FB8] =	sst s10  }
0x38: {  	s10 =	sld [smem:$0x3FB9]  }
0x39: {  	_ = 	snop;
	(pc) =	sbr.ind lr, $3  }
0x3a: {  	_ = 	snop  }
0x3b: {  	_ = 	snop  }
0x3c: {  	p2 =	seq.s32 s10, $0x1;
	s10 =	sld [smem:$0x3FB8]  }
0x3d: {  	_ =	shalt  }
0x3e: {  	_ =	shalt  }
0x3f: {  	_ =	shalt  }
0x40: {  	_ =	shalt  }
0x41: {  	_ =	shalt  }
0x42: {  	_ =	shalt  }
0x43: {  	_ =	shalt  }
0x44: {  	_ =	shalt  }
0x45: {  	_ =	shalt  }
0x46: {  	_ =	shalt  }
0x47: {  	_ =	shalt  }
0x48: {  	_ =	shalt  }
0x49: {  	_ =	shalt  }
0x4a: {  	_ =	shalt  }
0x4b: {  	_ =	shalt  }
0x4c: {  	_ =	shalt  }
0x4d: {  	_ =	shalt  }
0x4e: {  	_ =	shalt  }
0x4f: {  	_ =	shalt  }
0x50: {  	_ =	shalt  }
0x51: {  	_ =	shalt  }
0x52: {  	_ =	shalt  }
0x53: {  	_ =	shalt  }
0x54: {  	_ =	shalt  }
0x55: {  	_ =	shalt  }
0x56: {  	_ =	shalt  }
0x57: {  	_ =	shalt  }
0x58: {  	_ =	shalt  }
0x59: {  	_ =	shalt  }
0x5a: {  	_ =	shalt  }
0x5b: {  	_ =	shalt  }
0x5c: {  	_ =	shalt  }
0x5d: {  	_ =	shalt  }
0x5e: {  	_ =	shalt  }
0x5f: {  	_ =	shalt  }
0x60: {  	_ =	shalt  }
0x61: {  	_ =	shalt  }
0x62: {  	_ =	shalt  }
0x63: {  	_ =	shalt  }
0x64: {  	_ =	shalt  }
0x65: {  	_ =	shalt  }
0x66: {  	_ =	shalt  }
0x67: {  	_ =	shalt  }
0x68: {  	_ =	shalt  }
0x69: {  	_ =	shalt  }
0x6a: {  	_ =	shalt  }
0x6b: {  	_ =	shalt  }
0x6c: {  	_ =	shalt  }
0x6d: {  	_ =	shalt  }
0x6e: {  	_ =	shalt  }
0x6f: {  	_ =	shalt  }
0x70: {  	_ =	shalt  }
0x71: {  	_ =	shalt  }
0x72: {  	_ =	shalt  }
0x73: {  	_ =	shalt  }
0x74: {  	_ =	shalt  }
0x75: {  	_ =	shalt  }
0x76: {  	_ =	shalt  }
0x77: {  	_ =	shalt  }
0x78: {  	_ =	shalt  }
0x79: {  	_ =	shalt  }
0x7a: {  	_ =	shalt  }
0x7b: {  	_ =	shalt  }
0x7c: {  	_ =	shalt  }
0x7d: {  	_ =	shalt  }
0x7e: {  	_ =	shalt  }
0x7f: {  	_ =	shalt  }
0x80: {  	_ =	shalt  }
0x81: {  	_ =	shalt  }
0x82: {  	_ =	shalt  }
0x83: {  	_ =	shalt  }
0x84: {  	_ =	shalt  }
0x85: {  	_ =	shalt  }
0x86: {  	_ =	shalt  }
0x87: {  	_ =	shalt  }
.Lfunc_end0:
.L_simem_size_0:
called_computation.1_lowered:
.L_overlay_start_0:
0x88: {  	s2 =	sld [smem:$0x3FD9]  }
0x89: {  	s3 =	sld [smem:$0x3FFE];
	_ =	sdelay $0x1  }
0x8a: {  	s1 =	srdreg.scid  }
0x8b: {  	s0 =	sand.u32 $0x1, s1  }
0x8c: {  	s17 =	sshll.u32 s0, $0xA;
	s2 =	sadd.s32 s3, s2  }
0x8d: {  	s2 =	sadd.s32 s2, s17  }
0x8e: {  	[smem:$0x3FC4] =	sst s2  }
0x8f: {  	_ = 	snop  }
0x90: {  	s2 =	sld [smem:$0x3FD0];
	(tm) =	ssettm $0x1  }
0x91: {  	s18 =	sld [smem:$0x3FFB];
	_ =	sdelay $0x3  }
0x92: {  	_ =	strace s18  }
0x93: {  	s3 =	sld [smem:$0x3FFC];
	_ =	sdelay $0x3  }
0x94: {  	_ =	strace s3  }
0x95: {  	s3 =	sld [smem:$0x3FFD];
	_ =	sdelay $0x3  }
0x96: {  	_ =	strace s3  }
0x97: {  	_ =	strace $0x8FFFFFFF  }
0x98: {  	s19 =	sld [smem:$0x3FDB];
	_ =	sdelay $0x1  }
0x99: {  	s4 =	simm.s32 $_scs_section_size  }
0x9a: {  	s5 =	simm.s32 $_size__tile_overlayer_lowered;
	s6 =	simm.s32 $_tile_overlayer_lowered  }
0x9b: {  	s22 =	simm.s32 $0x1BFF;
	s21 =	sshll.u32 s6, $0x1;
	s3 =	sadd.s32 s4, s19  }
0x9c: {  	s7 =	simm.s32 $0x0;
	s20 =	sshll.u32 s5, $0x1;
	s5 =	sadd.s32 s21, s3  }
0x9d: {  	[timem:s7], [sflag:s22] =	dma.local [hbm:s5], s20  }
0x9e: {  	_ =	swait.ge [sflag:s22], s20  }
0x9f: {  	s4 =	ssub.s32 $0x0, s20;
	[sflag:s22] =	ssyncset.done $0x0  }
0xa0: {  	[sflag:s22] =	ssyncadd.s32 s4;
	_ =	sdelay $0x1  }
0xa1: {  	s23 =	simm.s32 $0x1B8B  }
0xa2: {  	_ =	swait.ge [sflag:s23], $0x1  }
0xa3: {  	[sflag:s23] =	ssyncset.done $0x0  }
0xa4: {  	s25 =	simm.s32 $0x1B8E;
	s24 =	sld [smem:$0x3FFE];
	[sflag:s23] =	ssyncadd.s32 $0xFFFFFFFF  }
0xa5: {  	s26 =	simm.s32 $execute0_lowered;
	[smem:$0x3FD2] =	sst s25  }
0xa6: {  	s5 =	sshll.u32 s26, $0x1;
	_ =	strace $0x80000046;
	[dreg:$0x1] =	wrdreg $0xFFFFFFFF  }
0xa7: {  	s28 =	simm.s32 $_size_execute0_lowered;
	s3 =	sadd.s32 s3, s5;
	[dreg:$0x0] =	wrdreg $0x0  }
0xa8: {  	s5 =	sshll.u32 s28, $0x1;
	[dreg:$0x2] =	wrdreg s3  }
0xa9: {  	[dreg:$0x3] =	wrdreg s5  }
0xaa: {  	[dreg:$0x4] =	wrdreg $0xC0  }
0xab: {  	_ =	task [dreg:s7], $0x5FFFF  }
0xac: {  	[dreg:$0x1] =	wrdreg $0xFFFFFFFF  }
0xad: {  	[dreg:$0x0] =	wrdreg $0x60  }
0xae: {  	[dreg:$0x2] =	wrdreg s2  }
0xaf: {  	[dreg:$0x3] =	wrdreg s24  }
0xb0: {  	[dreg:$0x4] =	wrdreg $0x9  }
0xb1: {  	_ =	task.clear_ibuf [dreg:s7], $0x5FFFF;
	_ =	strace $0x90000046  }
0xb2: {  	s29 =	simm.s32 $0x9;
	_ =	strace $0x80000048  }
0xb3: {  	_ =	swait.ge [sflag:s29], $0x1  }
0xb4: {  	[sflag:s29] =	ssyncadd.s32 $0xFFFFFFFF  }
0xb5: {  	_ =	strace $0x90000048  }
0xb6: {  	_ =	sfence  }
0xb7: {  	s30 =	sld [smem:$0x0];
	_ =	sdelay $0x2  }
0xb8: {  	s31 =	sshll.u32 s1, $0xD;
	s1 =	sshrl.u32 s1, $0x2  }
0xb9: {  	s3 =	sand.u32 $0x4000, s31;
	s1 =	sadd.s32 s1, s30  }
0xba: {  	s0 =	sor.u32 s3, s0;
	s1 =	sshll.u32 s1, $0x11  }
0xbb: {  	s0 =	sor.u32 s1, s0  }
0xbc: {  	s0 =	sadd.s32 $0x8F2B, s0  }
0xbd: {  	[sflag:s0] =	ssyncadd.remote.s32 $0x1  }
0xbe: {  	_ =	sfence.sel $0xFFFF  }
0xbf: {  	[dreg:$0x0] =	wrdreg $0xFFFFFFFF;
	(pc) =	sbr.abs _section_cstart, $3  }
0xc0: {  	[dreg:$0x1] =	wrdreg $0xFFFFFFFF  }
0xc1: {  	_ =	task.clear_ibuf [dreg:s7], $0x2FFFF;
	_ =	strace $0x9FFFFFFF  }
0xc2: {  	(tm) =	ssettm $0x7FFFFFFF  }
0xc3: {  	_ =	shalt  }
tec
execute0_lowered:
.L_overlay_start_1:
0x0: {  	(tag) =	ssettag $0x1  }
0x1: {  	s1 =	srdreg.scid;
	s5 =	rddreg [dreg:$0x0]  }
0x2: {  	s0 =	stileid.u32;
	s3 =	rddreg [dreg:$0x1];
	s2 =	simm.s32 $0x0  }
0x3: {  	s4 =	sand.u32 $0x1, s1;
	s18 =	sshll.u32 s0, $0x1;
	s9 =	smul.u32 $0x320000, s0  }
0x4: {  	s17 =	simm.s32 $0xA400;
	s6 =	sor.u32 s4, s18;
	s11 =	smul.u32 $0x190000, s4  }
0x5: {  	[smem:$0x7FF] =	sst s2;
	s8 =	ssub.s32 $0x2, s4;
	s7 =	smul.u32 $0xC80, s6  }
0x6: {  	s3 =	sadd.s32 $0xF42E00, s3;
	s6 =	smul.u32 $0x190000, s6;
	s10 =	sshrl.u32 s8, $0x1  }
0x7: {  	_ =	strace $0x80000047;
	s18 =	simm.s32 $0xC400;
	s12 =	ssub.s32 s8, s10  }
0x8: {  	s13 =	sadd.s32 s11, s9;
	s6 =	sshrl.u32 s6, $0x3;
	s5 =	sadd.s32 s5, s7  }
0x9: {  	s11 =	sadd.s32 $0x1C000, s13;
	s15 =	sadd.s32 $0x1A000, s13;
	s20 =	sadd.s32 $0x18000, s13  }
0xa: {  	s16 =	sadd.s32 $0x16000, s13;
	s24 =	sadd.s32 $0x14000, s13;
	s26 =	sadd.s32 $0x12000, s13  }
0xb: {  	s28 =	sor.u32 $0xE000, s13;
	s12 =	smax.u32 s12, $0x1;
	s13 =	sadd.s32 $0x10000, s13  }
0xc: {  	s4 =	sadd.s32 s3, s6;
	s14 =	sshrl.u32 s11, $0x3;
	s19 =	sshrl.u32 s15, $0x3  }
0xd: {  	s15 =	sshrl.u32 s20, $0x3;
	s22 =	sshrl.u32 s16, $0x3;
	s25 =	sshrl.u32 s24, $0x3  }
0xe: {  	s30 =	sshrl.u32 s28, $0x3;
	s16 =	simm.s32 $0x8400;
	s20 =	simm.s32 $0x10400  }
0xf: {  	s24 =	simm.s32 $0x0;
	s6 =	sadd.s32 $0x400, s4;
	s7 =	sadd.s32 $0x800, s4  }
0x10: {  	s8 =	sadd.s32 $0xC00, s4;
	s9 =	sadd.s32 $0x1000, s4;
	s14 =	sadd.s32 s14, s3  }
0x11: {  	s10 =	sadd.s32 $0x1400, s4;
	s21 =	sadd.s32 s15, s3;
	[dreg:$0xa] =	wrdreg s14  }
0x12: {  	s11 =	sadd.s32 $0x1800, s4;
	s23 =	sadd.s32 s22, s3;
	[dreg:$0x8] =	wrdreg s21  }
0x13: {  	s15 =	sshrl.u32 s26, $0x3;
	s31 =	sadd.s32 s30, s3;
	[dreg:$0x7] =	wrdreg s23  }
0x14: {  	s22 =	simm.s32 $0x1;
	s14 =	sadd.s32 s19, s3;
	[dreg:$0x3] =	wrdreg s31  }
0x15: {  	s29 =	sadd.s32 s15, s3;
	s15 =	simm.s32 $0x6400;
	[dreg:$0x9] =	wrdreg s14  }
0x16: {  	s19 =	simm.s32 $0xE400;
	s23 =	simm.s32 $0x14400;
	[dreg:$0x5] =	wrdreg s29  }
0x17: {  	s21 =	simm.s32 $0x12400;
	s14 =	sadd.s32 s25, s3;
	[dreg:$0x4] =	wrdreg s23  }
0x18: {  	s23 =	simm.s32 $0x2;
	[dreg:$0x6] =	wrdreg s14;
	s14 =	simm.s32 $0x9  }
.LBB2_1:
0x19: {  	[tilespmem:s2], [sflag:$0x9] =	stream.linear.gather [hbm4b:s5+s2], $0x6400, $0x38;
	[tilespmem:$0x16400] =	vst v63  }
0x1a: {  	_ =	swait.ge [sflag:s14], $0x6400  }
0x1b: {  	[sflag:s14] =	ssyncset.done $0x0  }
0x1c: {  	[sflag:s14] =	ssyncadd.s32 $0xFFFF9C00  }
0x1d: {  	[tilespmem:s15], [sflag:$0x1] =	stream.linear.gather [hbm4b:s4+s2], $0x2000, $0x38;
	[tilespmem:$0x16400] =	vst v63  }
0x1e: {  	_ = 	snop  }
0x1f: {  	[tilespmem:s16], [sflag:$0x2] =	stream.linear.gather [hbm4b:s6+s2], $0x2000, $0x38;
	[tilespmem:$0x16400] =	vst v63  }
0x20: {  	_ = 	snop  }
0x21: {  	[tilespmem:s17], [sflag:$0x3] =	stream.linear.gather [hbm4b:s7+s2], $0x2000, $0x38;
	[tilespmem:$0x16400] =	vst v63  }
0x22: {  	_ = 	snop  }
0x23: {  	[tilespmem:s18], [sflag:$0x4] =	stream.linear.gather [hbm4b:s8+s2], $0x2000, $0x38;
	[tilespmem:$0x16400] =	vst v63  }
0x24: {  	_ = 	snop  }
0x25: {  	[tilespmem:s19], [sflag:$0x5] =	stream.linear.gather [hbm4b:s9+s2], $0x2000, $0x38;
	[tilespmem:$0x16400] =	vst v63  }
0x26: {  	_ = 	snop  }
0x27: {  	[tilespmem:s20], [sflag:$0x6] =	stream.linear.gather [hbm4b:s10+s2], $0x2000, $0x38;
	[tilespmem:$0x16400] =	vst v63  }
0x28: {  	_ = 	snop  }
0x29: {  	[tilespmem:s21], [sflag:$0x7] =	stream.linear.gather [hbm4b:s11+s2], $0x2000, $0x38;
	[tilespmem:$0x16400] =	vst v63  }
0x2a: {  	_ =	swait.ge [sflag:s22], $0x2000  }
0x2b: {  	p0 =	por $0x1, $0x1;
	s25 =	rddreg [dreg:$0x3];
	[sflag:s22] =	ssyncset.done $0x0  }
0x2c: {  	s26 =	rddreg [dreg:$0x4];
	[sflag:s22] =	ssyncadd.s32 $0xFFFFE000;
	s25 =	sadd.s32 $0x0, s25  }
0x2d: {  	[tilespmem:s26], [sflag:$0x8] =	stream.linear.gather [hbm4b:s25+s2], $0x2000, $0x38;
	[tilespmem:$0x16400] =	vst v63  }
0x2e: {  	s28 =	simm.s32 @p0 $0x6400;
	_ =	swait.ge [sflag:s23], $0x2000  }
0x2f: {  	s29 =	simm.s32 @p0 $0x3;
	s25 =	sshrl.u32 @p0 s13, $0x3;
	[sflag:s23] =	ssyncset.done $0x0  }
0x30: {  	s26 =	simm.s32 @p0 $0x0;
	s25 =	sadd.s32 @p0 s3, s25;
	[sflag:s23] =	ssyncadd.s32 $0xFFFFE000  }
0x31: {  	[tilespmem:s28], [sflag:$0x1] =	stream.linear.gather @p0 [hbm4b:s25+s26], $0x2000, $0x38;
	[tilespmem:$0x16400] =	vst v63  }
0x32: {  	_ =	swait.ge @p0 [sflag:s29], $0x2000  }
0x33: {  	s28 =	simm.s32 @p0 $0x8400;
	s25 =	rddreg [dreg:$0x5];
	[sflag:s29] =	ssyncset.done @p0 $0x0  }
0x34: {  	[sflag:s29] =	ssyncadd.s32 @p0 $0xFFFFE000;
	s25 =	sadd.s32 @p0 $0x0, s25;
	s29 =	simm.s32 @p0 $0x4  }
0x35: {  	[tilespmem:s28], [sflag:$0x2] =	stream.linear.gather @p0 [hbm4b:s25+s26], $0x2000, $0x38;
	[tilespmem:$0x16400] =	vst v63  }
0x36: {  	_ =	swait.ge @p0 [sflag:s29], $0x2000  }
0x37: {  	s28 =	simm.s32 @p0 $0xA400;
	s25 =	rddreg [dreg:$0x6];
	[sflag:s29] =	ssyncset.done @p0 $0x0  }
0x38: {  	[sflag:s29] =	ssyncadd.s32 @p0 $0xFFFFE000;
	s25 =	sadd.s32 @p0 $0x0, s25;
	s29 =	simm.s32 @p0 $0x5  }
0x39: {  	[tilespmem:s28], [sflag:$0x3] =	stream.linear.gather @p0 [hbm4b:s25+s26], $0x2000, $0x38;
	[tilespmem:$0x16400] =	vst v63  }
0x3a: {  	_ =	swait.ge @p0 [sflag:s29], $0x2000  }
0x3b: {  	s28 =	simm.s32 @p0 $0xC400;
	s25 =	rddreg [dreg:$0x7];
	[sflag:s29] =	ssyncset.done @p0 $0x0  }
0x3c: {  	[sflag:s29] =	ssyncadd.s32 @p0 $0xFFFFE000;
	s25 =	sadd.s32 @p0 $0x0, s25;
	s29 =	simm.s32 @p0 $0x6  }
0x3d: {  	[tilespmem:s28], [sflag:$0x4] =	stream.linear.gather @p0 [hbm4b:s25+s26], $0x2000, $0x38;
	[tilespmem:$0x16400] =	vst v63  }
0x3e: {  	_ =	swait.ge @p0 [sflag:s29], $0x2000  }
0x3f: {  	s28 =	simm.s32 @p0 $0xE400;
	s25 =	rddreg [dreg:$0x8];
	[sflag:s29] =	ssyncset.done @p0 $0x0  }
0x40: {  	[sflag:s29] =	ssyncadd.s32 @p0 $0xFFFFE000;
	s25 =	sadd.s32 @p0 $0x0, s25;
	s29 =	simm.s32 @p0 $0x7  }
0x41: {  	[tilespmem:s28], [sflag:$0x5] =	stream.linear.gather @p0 [hbm4b:s25+s26], $0x2000, $0x38;
	[tilespmem:$0x16400] =	vst v63  }
0x42: {  	_ =	swait.ge @p0 [sflag:s29], $0x2000  }
0x43: {  	s28 =	simm.s32 @p0 $0x10400;
	s25 =	rddreg [dreg:$0x9];
	[sflag:s29] =	ssyncset.done @p0 $0x0  }
0x44: {  	[sflag:s29] =	ssyncadd.s32 @p0 $0xFFFFE000;
	s25 =	sadd.s32 @p0 $0x0, s25;
	s29 =	simm.s32 @p0 $0x8  }
0x45: {  	[tilespmem:s28], [sflag:$0x6] =	stream.linear.gather @p0 [hbm4b:s25+s26], $0x2000, $0x38;
	[tilespmem:$0x16400] =	vst v63  }
0x46: {  	_ =	swait.ge @p0 [sflag:s29], $0x2000  }
0x47: {  	s28 =	simm.s32 @p0 $0x12400;
	s25 =	rddreg [dreg:$0xa];
	[sflag:s29] =	ssyncset.done @p0 $0x0  }
0x48: {  	[sflag:s29] =	ssyncadd.s32 @p0 $0xFFFFE000;
	s25 =	sadd.s32 @p0 $0x0, s25;
	s29 =	simm.s32 @!p0 $0x3  }
0x49: {  	[tilespmem:s28], [sflag:$0x7] =	stream.linear.gather @p0 [hbm4b:s25+s26], $0x2000, $0x38;
	[tilespmem:$0x16400] =	vst v63  }
0x4a: {  	_ =	swait.ge @!p0 [sflag:s29], $0x2000  }
0x4b: {  	[sflag:s29] =	ssyncset.done @!p0 $0x0  }
0x4c: {  	s25 =	simm.s32 @!p0 $0x4;
	[sflag:s29] =	ssyncadd.s32 @!p0 $0xFFFFE000  }
0x4d: {  	_ =	swait.ge @!p0 [sflag:s25], $0x2000  }
0x4e: {  	[sflag:s25] =	ssyncset.done @!p0 $0x0  }
0x4f: {  	s26 =	simm.s32 @!p0 $0x5;
	[sflag:s25] =	ssyncadd.s32 @!p0 $0xFFFFE000  }
0x50: {  	_ =	swait.ge @!p0 [sflag:s26], $0x2000  }
0x51: {  	[sflag:s26] =	ssyncset.done @!p0 $0x0  }
0x52: {  	s25 =	simm.s32 @!p0 $0x6;
	[sflag:s26] =	ssyncadd.s32 @!p0 $0xFFFFE000  }
0x53: {  	_ =	swait.ge @!p0 [sflag:s25], $0x2000  }
0x54: {  	[sflag:s25] =	ssyncset.done @!p0 $0x0  }
0x55: {  	s26 =	simm.s32 @!p0 $0x7;
	[sflag:s25] =	ssyncadd.s32 @!p0 $0xFFFFE000  }
0x56: {  	_ =	swait.ge @!p0 [sflag:s26], $0x2000  }
0x57: {  	[sflag:s26] =	ssyncset.done @!p0 $0x0  }
0x58: {  	s30 =	simm.s32 @!p0 $0x8;
	s28 =	simm.s32 $0x0;
	[sflag:s26] =	ssyncadd.s32 @!p0 $0xFFFFE000  }
0x59: {  	s25 =	simm.s32 $0x2000;
	s26 =	sadd.s32 $0x10000, s13;
	_ =	swait.ge @!p0 [sflag:s30], $0x2000  }
.LBB2_2:
0x5a: {  	[sflag:s30] =	ssyncset.done @!p0 $0x0  }
0x5b: {  	[sflag:s30] =	ssyncadd.s32 @!p0 $0xFFFFE000  }
0x5c: {  	s28 =	sadd.s32 $0x1, s28;
	s29 =	smov.u32 s25;
	_ =	swait.ge [sflag:s22], $0x2000  }
0x5d: {  	p0 =	slt.u32 s28, $0x18;
	s30 =	rddreg [dreg:$0x3];
	[sflag:s22] =	ssyncset.done $0x0  }
0x5e: {  	s31 =	rddreg [dreg:$0x4];
	[sflag:s22] =	ssyncadd.s32 $0xFFFFE000;
	s30 =	sadd.s32 s29, s30  }
0x5f: {  	[tilespmem:s31], [sflag:$0x8] =	stream.linear.gather [hbm4b:s30+s2], $0x2000, $0x38;
	[tilespmem:$0x16400] =	vst v63  }
0x60: {  	s1 =	simm.s32 @p0 $0x6400;
	_ =	swait.ge [sflag:s23], $0x2000  }
0x61: {  	s0 =	simm.s32 @p0 $0x3;
	s31 =	sshrl.u32 @p0 s26, $0x3;
	[sflag:s23] =	ssyncset.done $0x0  }
0x62: {  	s30 =	simm.s32 @p0 $0x0;
	s31 =	sadd.s32 @p0 s3, s31;
	[sflag:s23] =	ssyncadd.s32 $0xFFFFE000  }
0x63: {  	[tilespmem:s1], [sflag:$0x1] =	stream.linear.gather @p0 [hbm4b:s31+s30], $0x2000, $0x38;
	[tilespmem:$0x16400] =	vst v63  }
0x64: {  	_ =	swait.ge @p0 [sflag:s0], $0x2000  }
0x65: {  	s31 =	simm.s32 @p0 $0x4;
	s1 =	rddreg [dreg:$0x5];
	[sflag:s0] =	ssyncset.done @p0 $0x0  }
0x66: {  	[sflag:s0] =	ssyncadd.s32 @p0 $0xFFFFE000;
	s0 =	simm.s32 @p0 $0x8400;
	s1 =	sadd.s32 @p0 s29, s1  }
0x67: {  	[tilespmem:s0], [sflag:$0x2] =	stream.linear.gather @p0 [hbm4b:s1+s30], $0x2000, $0x38;
	[tilespmem:$0x16400] =	vst v63  }
0x68: {  	_ =	swait.ge @p0 [sflag:s31], $0x2000  }
0x69: {  	s1 =	simm.s32 @p0 $0xA400;
	s0 =	rddreg [dreg:$0x6];
	[sflag:s31] =	ssyncset.done @p0 $0x0  }
0x6a: {  	[sflag:s31] =	ssyncadd.s32 @p0 $0xFFFFE000;
	s0 =	sadd.s32 @p0 s29, s0;
	s31 =	simm.s32 @p0 $0x5  }
0x6b: {  	[tilespmem:s1], [sflag:$0x3] =	stream.linear.gather @p0 [hbm4b:s0+s30], $0x2000, $0x38;
	[tilespmem:$0x16400] =	vst v63  }
0x6c: {  	_ =	swait.ge @p0 [sflag:s31], $0x2000  }
0x6d: {  	s1 =	simm.s32 @p0 $0xC400;
	s0 =	rddreg [dreg:$0x7];
	[sflag:s31] =	ssyncset.done @p0 $0x0  }
0x6e: {  	[sflag:s31] =	ssyncadd.s32 @p0 $0xFFFFE000;
	s0 =	sadd.s32 @p0 s29, s0;
	s31 =	simm.s32 @p0 $0x6  }
0x6f: {  	[tilespmem:s1], [sflag:$0x4] =	stream.linear.gather @p0 [hbm4b:s0+s30], $0x2000, $0x38;
	[tilespmem:$0x16400] =	vst v63  }
0x70: {  	_ =	swait.ge @p0 [sflag:s31], $0x2000  }
0x71: {  	s1 =	simm.s32 @p0 $0xE400;
	s0 =	rddreg [dreg:$0x8];
	[sflag:s31] =	ssyncset.done @p0 $0x0  }
0x72: {  	[sflag:s31] =	ssyncadd.s32 @p0 $0xFFFFE000;
	s0 =	sadd.s32 @p0 s29, s0;
	s31 =	simm.s32 @p0 $0x7  }
0x73: {  	[tilespmem:s1], [sflag:$0x5] =	stream.linear.gather @p0 [hbm4b:s0+s30], $0x2000, $0x38;
	[tilespmem:$0x16400] =	vst v63  }
0x74: {  	_ =	swait.ge @p0 [sflag:s31], $0x2000  }
0x75: {  	s1 =	simm.s32 @p0 $0x10400;
	s0 =	rddreg [dreg:$0x9];
	[sflag:s31] =	ssyncset.done @p0 $0x0  }
0x76: {  	[sflag:s31] =	ssyncadd.s32 @p0 $0xFFFFE000;
	s0 =	sadd.s32 @p0 s29, s0;
	s31 =	simm.s32 @p0 $0x8  }
0x77: {  	[tilespmem:s1], [sflag:$0x6] =	stream.linear.gather @p0 [hbm4b:s0+s30], $0x2000, $0x38;
	[tilespmem:$0x16400] =	vst v63  }
0x78: {  	_ =	swait.ge @p0 [sflag:s31], $0x2000  }
0x79: {  	s1 =	simm.s32 @p0 $0x12400;
	s0 =	rddreg [dreg:$0xa];
	[sflag:s31] =	ssyncset.done @p0 $0x0  }
0x7a: {  	[sflag:s31] =	ssyncadd.s32 @p0 $0xFFFFE000;
	s0 =	sadd.s32 @p0 s29, s0;
	s29 =	simm.s32 @!p0 $0x3  }
0x7b: {  	[tilespmem:s1], [sflag:$0x7] =	stream.linear.gather @p0 [hbm4b:s0+s30], $0x2000, $0x38;
	[tilespmem:$0x16400] =	vst v63  }
0x7c: {  	_ =	swait.ge @!p0 [sflag:s29], $0x2000  }
0x7d: {  	[sflag:s29] =	ssyncset.done @!p0 $0x0  }
0x7e: {  	s0 =	simm.s32 @!p0 $0x4;
	[sflag:s29] =	ssyncadd.s32 @!p0 $0xFFFFE000  }
0x7f: {  	_ =	swait.ge @!p0 [sflag:s0], $0x2000  }
0x80: {  	[sflag:s0] =	ssyncset.done @!p0 $0x0  }
0x81: {  	s1 =	simm.s32 @!p0 $0x5;
	[sflag:s0] =	ssyncadd.s32 @!p0 $0xFFFFE000  }
0x82: {  	_ =	swait.ge @!p0 [sflag:s1], $0x2000  }
0x83: {  	[sflag:s1] =	ssyncset.done @!p0 $0x0  }
0x84: {  	s0 =	simm.s32 @!p0 $0x6;
	[sflag:s1] =	ssyncadd.s32 @!p0 $0xFFFFE000  }
0x85: {  	s25 =	sadd.s32 $0x2000, s25;
	_ =	swait.ge @!p0 [sflag:s0], $0x2000  }
0x86: {  	p1 =	sne.s32 s25, $0x32000;
	[sflag:s0] =	ssyncset.done @!p0 $0x0  }
.Ltmp0:
0x87: {  	s1 =	simm.s32 @!p0 $0x7;
	[sflag:s0] =	ssyncadd.s32 @!p0 $0xFFFFE000;
	(pc) =	sbr.rel @p1 .LBB2_2-.Ltmp0, $4  }
0x88: {  	_ =	swait.ge @!p0 [sflag:s1], $0x2000  }
0x89: {  	[sflag:s1] =	ssyncset.done @!p0 $0x0  }
0x8a: {  	s30 =	simm.s32 @!p0 $0x8;
	[sflag:s1] =	ssyncadd.s32 @!p0 $0xFFFFE000  }
0x8b: {  	s26 =	sadd.s32 $0x10000, s26;
	_ =	swait.ge @!p0 [sflag:s30], $0x2000  }
0x8c: {  	s24 =	sadd.s32 $0x1, s24  }
0x8d: {  	p1 =	sne.s32 s24, s12  }
.Ltmp1:
0x8e: {  	_ = 	snop;
	(pc) =	sbr.rel @p1 .LBB2_1-.Ltmp1, $3  }
0x8f: {  	_ =	sdelay $0x1  }
0x90: {  	[sflag:s30] =	ssyncset.done @!p0 $0x0  }
0x91: {  	[sflag:s30] =	ssyncadd.s32 @!p0 $0xFFFFE000  }
0x92: {  	_ =	sfence.sel $0x180000  }
0x93: {  	[bflag:$0x0] =	sbarrier.arrive $0xFFFF  }
0x94: {  	_ =	strace $0x90000047  }
0x95: {  	s0 =	stileid.u32;
	[bflag:$0x2] =	sbarrier.arrive $0xFFFF  }
0x96: {  	p0 =	sne.s32 s0, $0x0;
	s0 =	rddreg [dreg:$0x2]  }
0x97: {  	s0 =	sadd.s32 @!p0 $0x100000, s0  }
0x98: {  	[sflag:s0] =	ssyncadd.tile.s32 @!p0 $0x1;
	_ =	shalt  }
.Lfunc_end2:
_tile_overlayer_lowered:
.L_overlay_start_2:
0x99: {  	(tag) =	ssettag $0x2  }
0x9a: {  	s0 =	rddreg [dreg:$0x0];
	s2 =	stileid.u32  }
0x9b: {  	s1 =	rddreg [dreg:$0x1];
	p0 =	sne.s32 s2, $0x0  }
0x9c: {  	s3 =	rddreg [dreg:$0x2];
	[bflag:$0x3] =	sbarrier.arrive $0xFFFF;
	s2 =	simm.s32 @!p0 $0x1C09  }
0x9d: {  	[timem:s3], [sflag:s2] =	dma.local @!p0 [hbm:s0], s1  }
0x9e: {  	s0 =	simm.s32 @!p0 $0x9  }
0x9f: {  	_ =	swait.ge @!p0 [sflag:s0], s1  }
0xa0: {  	s1 =	ssub.s32 @!p0 $0x0, s1;
	[sflag:s0] =	ssyncset.done @!p0 $0x0  }
0xa1: {  	[sflag:s0] =	ssyncadd.s32 @!p0 s1  }
0xa2: {  	[bflag:$0x3] =	sbarrier.arrive $0xFFFF  }
0xa3: {  	_ =	shalt  }

// kernel: sparse-core-data-format-call.cloned.1.call-start
scs
called_computation_lowered:
.L_overlay_start_0:
0x0: {  	s2 =	sld [smem:$0x3FD9]  }
0x1: {  	s3 =	sld [smem:$0x3FFE];
	_ =	sdelay $0x1  }
0x2: {  	s1 =	srdreg.scid  }
0x3: {  	s0 =	sand.u32 $0x1, s1  }
0x4: {  	s18 =	sshll.u32 s0, $0xA;
	s2 =	sadd.s32 s3, s2  }
0x5: {  	s2 =	sadd.s32 s2, s18  }
0x6: {  	[smem:$0x3FC4] =	sst s2  }
0x7: {  	_ = 	snop  }
0x8: {  	s2 =	sld [smem:$0x3FD0];
	(tm) =	ssettm $0x1  }
0x9: {  	s19 =	sld [smem:$0x3FFB];
	_ =	sdelay $0x3  }
0xa: {  	_ =	strace s19  }
0xb: {  	s3 =	sld [smem:$0x3FFC];
	_ =	sdelay $0x3  }
0xc: {  	_ =	strace s3  }
0xd: {  	s3 =	sld [smem:$0x3FFD];
	_ =	sdelay $0x3  }
0xe: {  	_ =	strace s3  }
0xf: {  	_ =	strace $0x8FFFFFFF  }
0x10: {  	s20 =	sld [smem:$0x3FDB];
	_ =	sdelay $0x1  }
0x11: {  	s4 =	simm.s32 $_scs_section_size  }
0x12: {  	s5 =	simm.s32 $_size__tile_overlayer_lowered;
	s6 =	simm.s32 $_tile_overlayer_lowered  }
0x13: {  	s23 =	simm.s32 $0x1BFF;
	s22 =	sshll.u32 s6, $0x1;
	s3 =	sadd.s32 s4, s20  }
0x14: {  	s7 =	simm.s32 $0x0;
	s21 =	sshll.u32 s5, $0x1;
	s5 =	sadd.s32 s22, s3  }
0x15: {  	[timem:s7], [sflag:s23] =	dma.local [hbm:s5], s21  }
0x16: {  	_ =	swait.ge [sflag:s23], s21  }
0x17: {  	s4 =	ssub.s32 $0x0, s21;
	[sflag:s23] =	ssyncset.done $0x0  }
0x18: {  	[sflag:s23] =	ssyncadd.s32 s4;
	_ =	sdelay $0x1  }
0x19: {  	s24 =	simm.s32 $0x1B8B  }
0x1a: {  	_ =	swait.ge [sflag:s24], $0x1  }
0x1b: {  	[sflag:s24] =	ssyncset.done $0x0  }
0x1c: {  	s26 =	simm.s32 $0x1B8E;
	s25 =	sld [smem:$0x3FFE];
	[sflag:s24] =	ssyncadd.s32 $0xFFFFFFFF  }
0x1d: {  	s27 =	simm.s32 $execute0_lowered;
	[smem:$0x3FD2] =	sst s26  }
0x1e: {  	s5 =	sshll.u32 s27, $0x1;
	_ =	strace $0x80000049;
	[dreg:$0x1] =	wrdreg $0xFFFFFFFF  }
0x1f: {  	s28 =	simm.s32 $_size_execute0_lowered;
	s3 =	sadd.s32 s3, s5;
	[dreg:$0x0] =	wrdreg $0x0  }
0x20: {  	s5 =	sshll.u32 s28, $0x1;
	[dreg:$0x2] =	wrdreg s3  }
0x21: {  	[dreg:$0x3] =	wrdreg s5  }
0x22: {  	[dreg:$0x4] =	wrdreg $0xC0  }
0x23: {  	_ =	task [dreg:s7], $0x5FFFF  }
0x24: {  	[dreg:$0x1] =	wrdreg $0xFFFFFFFF  }
0x25: {  	[dreg:$0x0] =	wrdreg $0x60  }
0x26: {  	[dreg:$0x2] =	wrdreg s25  }
0x27: {  	[dreg:$0x3] =	wrdreg s2  }
0x28: {  	[dreg:$0x4] =	wrdreg $0x9  }
0x29: {  	_ =	task.clear_ibuf [dreg:s7], $0x5FFFF;
	_ =	strace $0x90000049  }
0x2a: {  	s29 =	simm.s32 $0x9;
	_ =	strace $0x8000004B  }
0x2b: {  	_ =	swait.ge [sflag:s29], $0x1  }
0x2c: {  	[sflag:s29] =	ssyncadd.s32 $0xFFFFFFFF  }
0x2d: {  	_ =	strace $0x9000004B  }
0x2e: {  	_ =	sfence  }
0x2f: {  	s30 =	sld [smem:$0x0];
	_ =	sdelay $0x2  }
0x30: {  	s31 =	sshll.u32 s1, $0xD;
	s1 =	sshrl.u32 s1, $0x2  }
0x31: {  	s3 =	sand.u32 $0x4000, s31;
	s1 =	sadd.s32 s1, s30  }
0x32: {  	s0 =	sor.u32 s3, s0;
	s1 =	sshll.u32 s1, $0x11  }
0x33: {  	s0 =	sor.u32 s1, s0  }
0x34: {  	s0 =	sadd.s32 $0x8F2B, s0  }
0x35: {  	[sflag:s0] =	ssyncadd.remote.s32 $0x1  }
0x36: {  	_ =	sfence.sel $0xFFFF  }
0x37: {  	[dreg:$0x0] =	wrdreg $0xFFFFFFFF;
	(pc) =	sbr.abs _section_cstart, $3  }
0x38: {  	[dreg:$0x1] =	wrdreg $0xFFFFFFFF  }
0x39: {  	_ =	task.clear_ibuf [dreg:s7], $0x2FFFF;
	_ =	strace $0x9FFFFFFF  }
0x3a: {  	(tm) =	ssettm $0x7FFFFFFF  }
0x3b: {  	_ =	shalt  }
tec
execute0_lowered:
.L_overlay_start_1:
0x0: {  	(tag) =	ssettag $0x1  }
0x1: {  	s0 =	srdreg.scid  }
0x2: {  	s1 =	sshll.u32 s0, $0x4  }
0x3: {  	s0 =	stileid.u32;
	s1 =	sand.u32 $0x10, s1  }
0x4: {  	s1 =	sor.u32 s0, s1  }
0x5: {  	s6 =	rddreg [dreg:$0x0];
	s4 =	simm.s32 $0x1;
	s2 =	sshll.u32 s1, $0x7  }
0x6: {  	s7 =	simm.s32 $0x2;
	s12 =	simm.s32 $0x0;
	s1 =	ssub.s32 $0x1000, s2  }
0x7: {  	s8 =	simm.s32 $0x8000;
	s13 =	simm.s32 $0x0;
	s3 =	sand.u32 $0xF80, s1  }
0x8: {  	s9 =	simm.s32 $0x0;
	s5 =	sshrl.u32 s1, $0xC;
	p0 =	sne.s32 s3, $0x0  }
.Ltmp0:
0x9: {  	s1 =	rddreg [dreg:$0x2];
	s4 =	simm.s32 @!p0 $0x0;
	(pc) =	sbr.rel .LBB1_1-.Ltmp0, $4  }
0xa: {  	s11 =	simm.s32 $0x0;
	s3 =	rddreg [dreg:$0x1];
	s5 =	sadd.s32 s4, s5  }
0xb: {  	_ =	strace $0x8000004A;
	s4 =	simm.s32 $0x1;
	s5 =	smul.u32 $0xC8, s5  }
0xc: {  	s6 =	sadd.s32 $0xA00, s6;
	s10 =	smov.u32 s2;
	[sflag:s4] =	ssyncpa.u1 $0x0  }
0xd: {  	p0 =	por $0x0, $0x0;
	[sflag:s7] =	ssyncpa.u1 $0x0;
	s7 =	sor.u32 $0x1, s5  }
.LBB1_4:
0xe: {  	s16 =	sshll.u32 s13, $0x3;
	s17 =	sand.u32 $0x78, s13  }
0xf: {  	s30 =	sand.u32 $0x7E00, s13;
	s12 =	sshll.u32 s12, $0xF;
	s16 =	sand.u32 $0xC00, s16  }
0x10: {  	[tilespmem:s15+$0x810 ss:$0x81] =	vst.msk $0xffff, v2;
	s31 =	sand.u32 $0x7, s13;
	s16 =	sor.u32 s17, s16;
	s17 =	sadd.s32 s3, s30  }
0x11: {  	[tilespmem:s15+$0x1020 ss:$0x81] =	vst.msk $0xffff, v0;
	s13 =	sshll.u32 s31, $0x12;
	s12 =	sadd.s32 s12, s17;
	s16 =	sshrl.u32 s16, $0x3  }
0x12: {  	[tilespmem:s15+$0x0 ss:$0x81] =	vst.msk $0xffff, v1;
	s13 =	sor.u32 $0x400, s13;
	s12 =	sadd.s32 s16, s12  }
0x13: {  	[hbm4b:s12+s13] =	stream.strided.scatter [tilespmem:s14], [sflag:$0x2], $0x2000, s8, s13, $0x20;
	[tilespmem:$0x8080] =	vst v63  }
.LBB1_5:
0x14: {  	s14 =	sadd.s32 $0x1, s9  }
0x15: {  	s12 =	sadd.s32 $0x1000, s10;
	s16 =	smov.u32 s10;
	p2 =	sgt.s32 s14, $0xC7  }
0x16: {  	s16 =	smov.u32 @p2 s12  }
0x17: {  	s14 =	simm.s32 @p2 $0x0;
	p2 =	sgt.s32 s16, $0xFFF  }
0x18: {  	s16 =	smov.u32 @p2 s2;
	p2 =	sne.s32 s11, s7  }
.Ltmp1:
0x19: {  	p1 =	slt.u32 s11, $0x2;
	(pc) =	sbr.rel @!p2 .LBB1_6-.Ltmp1, $4  }
0x1a: {  	s15 =	simm.s32 @!p1 $0x2  }
0x1b: {  	s13 =	smov.u32 s10;
	p0 =	por !p0, !p0;
	_ =	swait.ge @!p1 [sflag:s15], $0x2000  }
0x1c: {  	s12 =	smov.u32 s9;
	[sflag:s15] =	ssyncset.done @!p1 $0x0;
	s9 =	smov.u32 s14  }
0x1d: {  	s11 =	sadd.s32 $0x1, s11;
	[sflag:s15] =	ssyncadd.s32 @!p1 $0xFFFFE000;
	s10 =	smov.u32 s16  }
.LBB1_1:
0x1e: {  	p1 =	sge.u32 s11, s5  }
0x1f: {  	s14 =	sand.u32 @!p1 $0x1FFFFFF, s9  }
0x20: {  	s15 =	smulhi.u32 @!p1 $0x147AE15, s14;
	_ =	sdelay $0x1  }
0x21: {  	s15 =	smul.u32 @!p1 $0xC8, s15  }
0x22: {  	s16 =	sxor.u32 @!p1 $0xFFFFFFFF, s11;
	s17 =	smul.u32 @!p1 $0xC80, s10  }
0x23: {  	s31 =	sadd.s32 $0xFFFFFFFF, s11;
	s16 =	sshll.u32 @!p1 s16, $0xD;
	s14 =	ssub.s32 @!p1 s14, s15  }
0x24: {  	s15 =	sand.u32 @!p1 $0x2000, s16;
	s16 =	sadd.s32 @!p1 s6, s17;
	s14 =	sshll.u32 @!p1 s14, $0x4  }
0x25: {  	s17 =	simm.s32 @!p1 $0x6400;
	s14 =	sadd.s32 @!p1 s14, s16;
	s16 =	simm.s32 @!p1 $0x40  }
0x26: {  	[tilespmem:s15], [sflag:$0x1] =	stream.strided.gather @!p1 [hbm4b:s14+s16], $0x2000, s17, s16, $0x38;
	[tilespmem:$0x8080] =	vst v63  }
0x27: {  	p1 =	sge.u32 s31, s5  }
.Ltmp2:
0x28: {  	_ = 	snop;
	(pc) =	sbr.rel @p1 .LBB1_5-.Ltmp2, $1  }
0x29: {  	_ =	sdelay $0x3  }
0x2a: {  	s14 =	simm.s32 $0x1  }
0x2b: {  	_ =	swait.ge [sflag:s4], $0x2000;
	s14 =	simm.s32 @!p0 $0x0  }
0x2c: {  	[sflag:s4] =	ssyncset.done $0x0;
	s15 =	sshll.u32 s14, $0xD  }
0x2d: {  	[sflag:s4] =	ssyncadd.s32 $0xFFFFE000;
	s18 =	sor.u32 $0x20, s15  }
0x2e: {  	s14 =	smul.u32 $0x8100, s14;
	v3 =	vld [tilespmem:s18+$0x10]  }
0x2f: {  	s30 =	sand.u32 $0x1, s11;
	v2 =	vld [tilespmem:s18+$0xFFFFFFF0]  }
0x30: {  	s15 =	smul.u32 $0x8100, s30;
	s14 =	sshrl.u32 s14, $0x2;
	v0 =	vld [tilespmem:s18+$0x0]  }
0x31: {  	v1 =	vld [tilespmem:s18+$0xFFFFFFE0];
	s16 =	sor.u32 $0x4000, s14  }
0x32: {  	s31 =	sshrl.u32 s15, $0x2;
	s15 =	sadd.s32 $0x0, s16  }
0x33: {  	s17 =	simm.s32 $0x4;
	s18 =	sadd.s32 $0x40, s18;
	s14 =	sor.u32 $0x4000, s31;
	[tilespmem:s15+$0x1830 ss:$0x81] =	vst.msk $0xffff, v3  }
.LBB1_3:
0x34: {  	v3 =	vld [tilespmem:s18+$0x10];
	p1 =	sne.s32 s17, $0x1FC;
	[tilespmem:s15+$0x810 ss:$0x81] =	vst.msk $0xffff, v2;
	s19 =	smov.u32 s17;
	s17 =	sadd.s32 $0x4, s17  }
.Ltmp3:
0x35: {  	v2 =	vld [tilespmem:s18+$0xFFFFFFF0];
	[tilespmem:s15+$0x1020 ss:$0x81] =	vst.msk $0xffff, v0;
	(pc) =	sbr.rel @p1 .LBB1_3-.Ltmp3, $4  }
0x36: {  	v0 =	vld [tilespmem:s18+$0x0];
	[tilespmem:s15+$0x0 ss:$0x81] =	vst.msk $0xffff, v1  }
0x37: {  	s15 =	sshra.s32 s19, $0x2;
	v1 =	vld [tilespmem:s18+$0xFFFFFFE0]  }
0x38: {  	s15 =	sadd.s32 s15, s16  }
0x39: {  	s18 =	sadd.s32 $0x40, s18;
	[tilespmem:s15+$0x1830 ss:$0x81] =	vst.msk $0xffff, v3  }
.Ltmp4:
0x3a: {  	_ = 	snop;
	(pc) =	sbr.rel .LBB1_4-.Ltmp4, $1  }
0x3b: {  	_ =	sdelay $0x3  }
.LBB1_6:
0x3c: {  	_ =	sfence.sel $0x180000  }
0x3d: {  	s2 =	simm.s32 $0x1;
	[bflag:$0x0] =	sbarrier.arrive $0xFFFF  }
0x3e: {  	s31 =	simm.s32 $0x2;
	[sflag:s2] =	ssyncpa.u1 $0x1  }
0x3f: {  	[sflag:s31] =	ssyncpa.u1 $0x1  }
0x40: {  	p0 =	sne.s32 s0, $0x0;
	_ =	strace $0x9000004A  }
0x41: {  	s0 =	sadd.s32 @!p0 $0x100000, s1;
	[bflag:$0x2] =	sbarrier.arrive $0xFFFF  }
0x42: {  	[sflag:s0] =	ssyncadd.tile.s32 @!p0 $0x1;
	_ =	shalt  }
.Lfunc_end1:
_tile_overlayer_lowered:
.L_overlay_start_2:
0x43: {  	(tag) =	ssettag $0x2  }
0x44: {  	s0 =	rddreg [dreg:$0x0];
	s2 =	stileid.u32  }
0x45: {  	s1 =	rddreg [dreg:$0x1];
	p0 =	sne.s32 s2, $0x0  }
0x46: {  	s3 =	rddreg [dreg:$0x2];
	[bflag:$0x3] =	sbarrier.arrive $0xFFFF;
	s2 =	simm.s32 @!p0 $0x1C01  }
0x47: {  	[timem:s3], [sflag:s2] =	dma.local @!p0 [hbm:s0], s1  }
0x48: {  	s0 =	simm.s32 @!p0 $0x1  }
0x49: {  	_ =	swait.ge @!p0 [sflag:s0], s1  }
0x4a: {  	s1 =	ssub.s32 @!p0 $0x0, s1;
	[sflag:s0] =	ssyncset.done @!p0 $0x0  }
0x4b: {  	[sflag:s0] =	ssyncadd.s32 @!p0 s1  }
0x4c: {  	[bflag:$0x3] =	sbarrier.arrive $0xFFFF  }
0x4d: {  	_ =	shalt  }

</sc_bundles>
